<compile_context>
chip_gen: v7x
topology: tpu7x:2x2x1
jax: 0.10.2.dev20260603
libtpu: 0.0.44.dev20260713+nightly
codegen_flags: <defaults>
</compile_context>

<pallas_src>
import functools

import jax
import jax.numpy as jnp
import numpy as np
from jax import lax
from jax.experimental import pallas as pl
from jax.experimental.pallas import tpu as pltpu, tpu_sc as plsc

_B, _N, _C = 16, 512, 256
_T = 2048
_HALF = _T // 2
_CHUNK = 128
_NCHUNK = _HALF // _CHUNK
_NPAD = 64
_ZERO_ROW = _B * _N


def _lr_body(table, durf, zero_hbm, out_hbm, mask_hbm,
             dur_v, a_v, idx_v, msk_v, rows0_v, rows1_v, zbuf_v,
             sem0, sem1, semz, wsem0, wsem1, wsemz):
    c = lax.axis_index("c")
    s = lax.axis_index("s")
    wid = c * 16 + s
    i = wid // 2
    h = wid % 2
    t0 = h * _HALF

    zcp = pltpu.async_copy(zero_hbm, zbuf_v, semz)
    pltpu.sync_copy(durf.at[i], dur_v)

    zeros16 = jnp.zeros((16,), jnp.int32)
    zeros16f = jnp.zeros((16,), jnp.float32)
    iota16 = lax.broadcasted_iota(jnp.int32, (16,), 0)

    def z_body(j, carry):
        a_v[pl.ds(j * 16, 16)] = zeros16
        return carry

    lax.fori_loop(0, _HALF // 16, z_body, 0)

    def cs_body(j, carry):
        tot, base = carry
        v = jnp.maximum(dur_v[pl.ds(j * 16, 16)], 0)
        cs = plsc.cumsum(v) + tot
        ex = cs - v
        n_vec = j * 16 + iota16
        m = (v > 0) & (ex >= t0) & (ex < t0 + _HALF)
        plsc.store_scatter(a_v, [ex - t0], n_vec, mask=m)
        base = base + jnp.sum((cs <= t0).astype(jnp.int32))
        return (jnp.max(cs), base)

    tot, base = lax.fori_loop(0, _N // 16, cs_body,
                              (jnp.int32(0), jnp.int32(0)))

    def cm_body(j, run):
        a = a_v[pl.ds(j * 16, 16)]
        cm = jnp.maximum(plsc.cummax(a), run)
        t_vec = t0 + j * 16 + iota16
        valid = t_vec < tot
        idx_v[pl.ds(j * 16, 16)] = i * _N + jnp.where(
            valid, cm, t_vec & (_N - 1))
        msk_v[pl.ds(j * 16, 16)] = valid.astype(jnp.int32)
        return jnp.max(cm)

    out_base = i * _T + t0
    vrows = jnp.clip(tot - t0, 0, _HALF)

    def dst_of(jj):
        return out_hbm.at[i, pl.ds(t0 + jj * _CHUNK, _CHUNK)]

    def gather_src(jj):
        return table.at[idx_v.at[pl.ds(jj * _CHUNK, _CHUNK)]]

    def g_issue(jj, buf, sem):
        @pl.when(jj * _CHUNK < vrows)
        def _():
            pltpu.async_copy(gather_src(jj), buf, sem)

    def g_drain(jj, buf, sem, wsem):
        @pl.when(jj * _CHUNK < vrows)
        def _():
            pltpu.make_async_copy(gather_src(jj), buf, sem).wait()

            @pl.when(vrows < (jj + 1) * _CHUNK)
            def _():
                kk = vrows - jj * _CHUNK
                up8 = jnp.minimum(((kk + 7) >> 3) << 3, _CHUNK)

                def zrow(r, carry):
                    for cpart in range(_C // 16):
                        buf[r, pl.ds(cpart * 16, 16)] = zeros16f
                    return carry

                lax.fori_loop(kk, up8, zrow, 0)
                m8 = _CHUNK - up8
                pos = up8
                for b in (64, 32, 16, 8):
                    hit = (m8 & b) != 0

                    @pl.when(hit)
                    def _(b=b, pos=pos):
                        pltpu.sync_copy(
                            zero_hbm.at[pl.ds(0, b)],
                            buf.at[pl.ds(pl.multiple_of(pos, 8), b)])

                    pos = pos + jnp.where(hit, b, 0)

            pltpu.async_copy(buf, dst_of(jj), wsem)

    _CV = _CHUNK // 16
    run = lax.fori_loop(0, _CV, cm_body, base)
    g_issue(0, rows0_v, sem0)
    run = lax.fori_loop(_CV, 2 * _CV, cm_body, run)
    g_issue(1, rows1_v, sem1)

    zcp.wait()

    def zfire(jj, carry):
        @pl.when(jj * _CHUNK >= vrows)
        def _():
            pltpu.async_copy(zbuf_v, dst_of(jj), wsemz)
        return carry

    lax.fori_loop(0, _NCHUNK, zfire, 0)
    lax.fori_loop(2 * _CV, _HALF // 16, cm_body, run)
    pltpu.sync_copy(msk_v, mask_hbm.at[i, pl.ds(t0, _HALF)])

    def ring(p, carry):
        j0 = 2 * p
        g_drain(j0, rows0_v, sem0, wsem0)

        @pl.when((j0 + 2) * _CHUNK < vrows)
        def _():
            pltpu.make_async_copy(rows0_v, dst_of(j0), wsem0).wait()
            pltpu.async_copy(gather_src(j0 + 2), rows0_v, sem0)

        g_drain(j0 + 1, rows1_v, sem1, wsem1)

        @pl.when((j0 + 3) * _CHUNK < vrows)
        def _():
            pltpu.make_async_copy(rows1_v, dst_of(j0 + 1), wsem1).wait()
            pltpu.async_copy(gather_src(j0 + 3), rows1_v, sem1)

        return carry

    lax.fori_loop(0, _NCHUNK // 2, ring, 0)

    def wdrain(p, carry):
        for off, buf, wsem in ((0, rows0_v, wsem0), (1, rows1_v, wsem1)):
            jj = 2 * p + off

            @pl.when((jj * _CHUNK < vrows) & ((jj + 2) * _CHUNK >= vrows))
            def _(jj=jj, buf=buf, wsem=wsem):
                pltpu.make_async_copy(buf, dst_of(jj), wsem).wait()

            @pl.when(jj * _CHUNK >= vrows)
            def _(jj=jj):
                pltpu.make_async_copy(zbuf_v, dst_of(jj), wsemz).wait()
        return carry

    lax.fori_loop(0, _NCHUNK // 2, wdrain, 0)


_lr_kernel = functools.partial(
    pl.kernel,
    mesh=plsc.VectorSubcoreMesh(core_axis_name="c", subcore_axis_name="s"),
    compiler_params=pltpu.CompilerParams(needs_layout_passes=False),
    out_type=(jax.ShapeDtypeStruct((_B, _T, _C), jnp.float32),
              jax.ShapeDtypeStruct((_B, _T), jnp.int32)),
    scratch_types=[
        pltpu.VMEM((_N,), jnp.int32),
        pltpu.VMEM((_HALF,), jnp.int32),
        pltpu.VMEM((_HALF,), jnp.int32),
        pltpu.VMEM((_HALF,), jnp.int32),
        pltpu.VMEM((_CHUNK, _C), jnp.float32),
        pltpu.VMEM((_CHUNK, _C), jnp.float32),
        pltpu.VMEM((_CHUNK, _C), jnp.float32),
        pltpu.SemaphoreType.DMA,
        pltpu.SemaphoreType.DMA,
        pltpu.SemaphoreType.DMA,
        pltpu.SemaphoreType.DMA,
        pltpu.SemaphoreType.DMA,
        pltpu.SemaphoreType.DMA,
    ],
)(_lr_body)


_ZERO_BLOCK = np.zeros((_CHUNK, _C), np.float32)


def kernel(x, duration, max_length):
    B, N, C = x.shape
    table = x.reshape(B * N, C)
    out, mask_i32 = _lr_kernel(table, duration, _ZERO_BLOCK)
    return (out, mask_i32 != 0)

# --- scband reference (transcript-rebuilt; emitter-appended) ---
"""Pipeline reference for scband-length-regulator-42923903156560 (READ-ONLY COPY).

The authoritative reference and input builder live on the scoring server;
editing this copy changes nothing except your own understanding.
"""

import jax, jax.numpy as jnp
import numpy as np


def setup_inputs(seed: int = 0) -> dict:
    key = jax.random.key(seed)
    k1, k2 = jax.random.split(key)
    x = jax.random.normal(k1, (16, 512, 256), dtype=jnp.float32)
    duration = jax.random.randint(k2, (16, 512), 0, 5, dtype=jnp.int32)
    return {"x": x, "duration": duration, "max_length": 2048}


def reference(x, duration, max_length):
    # LengthRegulator: repeat each phoneme frame x[i, n] duration[i, n] times along
    # the time axis, pad/truncate each example to max_length (zero padding), and
    # build a boolean mask of valid mel frames.
    B, N, C = x.shape
    total_len = 2048
    dur = jnp.clip(duration, 0)  # duration[i].clip(min=0)
    mel_lengths = jnp.sum(dur, axis=1)
    outs = []
    for i in range(B):
        # torch.repeat_interleave(x[i], dur[i], dim=0) followed by fix_length to
        # max_length. jnp.repeat with total_repeat_length pads by repeating the
        # final value; we zero the padded region with the mask below to match
        # torch's zero-padding fix_length.
        o = jnp.repeat(x[i], dur[i], axis=0, total_repeat_length=total_len)
        outs.append(o)
    out = jnp.stack(outs, axis=0)
    # create_mask_from_lengths + fix_length(mask, max_length, dim=1)
    lengths_c = jnp.minimum(mel_lengths, max_length)
    mel_mask = jnp.arange(total_len)[None, :] < lengths_c[:, None]
    # zero out padded (and any truncated-overflow) region to match torch fix_length
    out = out * mel_mask[:, :, None].astype(out.dtype)
    return (out, mel_mask)

if __name__ == "__main__":
    import jax
    _d = setup_inputs()
    print(jax.jit(kernel)(*tuple(_d.values())))

</pallas_src>

<mosaic_0001>
#map = affine_map<(d0, d1) -> (0, 0)>
#map1 = affine_map<(d0, d1) -> (0, 0, 0)>
module attributes {stable_mosaic.version = 14 : i64} {
  func.func @_lr_body(%arg0: i32, %arg1: i32, %arg2: memref<8192x256xf32, #tpu.memory_space<hbm>>, %arg3: memref<16x512xi32, #tpu.memory_space<hbm>>, %arg4: memref<128x256xf32, #tpu.memory_space<hbm>>, %arg5: memref<16x2048x256xf32, #tpu.memory_space<hbm>>, %arg6: memref<16x2048xi32, #tpu.memory_space<hbm>>, %arg7: memref<512xi32, #tpu.memory_space<vmem>>, %arg8: memref<1024xi32, #tpu.memory_space<vmem>>, %arg9: memref<1024xi32, #tpu.memory_space<vmem>>, %arg10: memref<1024xi32, #tpu.memory_space<vmem>>, %arg11: memref<128x256xf32, #tpu.memory_space<vmem>>, %arg12: memref<128x256xf32, #tpu.memory_space<vmem>>, %arg13: memref<128x256xf32, #tpu.memory_space<vmem>>, %arg14: memref<!tpu.dma_semaphore, #tpu.memory_space<semaphore_mem>>, %arg15: memref<!tpu.dma_semaphore, #tpu.memory_space<semaphore_mem>>, %arg16: memref<!tpu.dma_semaphore, #tpu.memory_space<semaphore_mem>>, %arg17: memref<!tpu.dma_semaphore, #tpu.memory_space<semaphore_mem>>, %arg18: memref<!tpu.dma_semaphore, #tpu.memory_space<semaphore_mem>>, %arg19: memref<!tpu.dma_semaphore, #tpu.memory_space<semaphore_mem>>) attributes {dimension_semantics = [#tpu.dimension_semantics<core_parallel>, #tpu.dimension_semantics<subcore_parallel>], iteration_bounds = array<i64: 2, 16>, scalar_prefetch = 0 : i64, scratch_operands = 13 : i64, tpu.core_type = #tpu.core_type<sc_vector_subcore>, window_params = [{transform_indices = #map}, {transform_indices = #map}, {transform_indices = #map}, {transform_indices = #map1}, {transform_indices = #map}]} {
    %mul3A = arith.constant 16 : i32
    %mul3A_0 = arith.muli %arg0, %mul3A : i32
    %add3A = arith.addi %mul3A_0, %arg1 : i32
    %jit3A = arith.constant 2 : i32
    %div3A = arith.divsi %add3A, %jit3A : i32
    %sign3A = arith.constant 0 : i32
    %sign3A_1 = arith.cmpi sgt, %add3A, %sign3A : i32
    %sign3A_2 = arith.extui %sign3A_1 : i1 to i32
    %sign3A_3 = arith.constant 0 : i32
    %sign3A_4 = arith.cmpi slt, %add3A, %sign3A_3 : i32
    %sign3A_5 = arith.extui %sign3A_4 : i1 to i32
    %sign3A_6 = arith.subi %sign3A_2, %sign3A_5 : i32
    %sign3A_7 = arith.constant 0 : i32
    %sign3A_8 = arith.cmpi sgt, %jit3A, %sign3A_7 : i32
    %sign3A_9 = arith.extui %sign3A_8 : i1 to i32
    %sign3A_10 = arith.constant 0 : i32
    %sign3A_11 = arith.cmpi slt, %jit3A, %sign3A_10 : i32
    %sign3A_12 = arith.extui %sign3A_11 : i1 to i32
    %sign3A_13 = arith.subi %sign3A_9, %sign3A_12 : i32
    %ne3A = arith.cmpi ne, %sign3A_6, %sign3A_13 : i32
    %rem3A = arith.remsi %add3A, %jit3A : i32
    %ne3A_14 = arith.constant 0 : i32
    %ne3A_15 = arith.cmpi ne, %rem3A, %ne3A_14 : i32
    %and3A = arith.andi %ne3A, %ne3A_15 : i1
    %sub3A = arith.constant 1 : i32
    %sub3A_16 = arith.subi %div3A, %sub3A : i32
    %select_n3A = arith.select %and3A, %sub3A_16, %div3A : i32
    %jit3A_17 = arith.constant 2 : i32
    %eq3A = arith.constant 0 : i32
    %eq3A_18 = arith.cmpi eq, %jit3A_17, %eq3A : i32
    %jit3A_19 = arith.constant 1 : i32
    %select_n3A_20 = arith.select %eq3A_18, %jit3A_19, %jit3A_17 : i32
    %rem3A_21 = arith.remsi %add3A, %select_n3A_20 : i32
    %ne3A_22 = arith.constant 0 : i32
    %ne3A_23 = arith.cmpi ne, %rem3A_21, %ne3A_22 : i32
    %lt3A = arith.constant 0 : i32
    %lt3A_24 = arith.cmpi slt, %rem3A_21, %lt3A : i32
    %lt3A_25 = arith.constant 0 : i32
    %lt3A_26 = arith.cmpi slt, %select_n3A_20, %lt3A_25 : i32
    %ne3A_27 = arith.xori %lt3A_24, %lt3A_26 : i1
    %and3A_28 = arith.andi %ne3A_27, %ne3A_23 : i1
    %add3A_29 = arith.addi %rem3A_21, %select_n3A_20 : i32
    %select_n3A_30 = arith.select %and3A_28, %add3A_29, %rem3A_21 : i32
    %mul3A_31 = arith.constant 1024 : i32
    %mul3A_32 = arith.muli %select_n3A_30, %mul3A_31 : i32
    tpu.enqueue_dma source(%arg4 : memref<128x256xf32, #tpu.memory_space<hbm>>) target(%arg13 : memref<128x256xf32, #tpu.memory_space<vmem>>) target_semaphore(%arg16 : memref<!tpu.dma_semaphore, #tpu.memory_space<semaphore_mem>>)
    "tpu.region"() ({
      %run_scoped3A = tpu.sem_alloc : memref<!tpu.dma_semaphore, #tpu.memory_space<semaphore_mem>>
      %dma_start3A = arith.constant 0 : i32
      %dma_start3A_98 = tpu.memref_slice %arg3[%select_n3A, %dma_start3A] : memref<16x512xi32, #tpu.memory_space<hbm>> -> memref<1x512xi32, #tpu.memory_space<hbm>>
      %dma_start3A_99 = tpu.memref_squeeze %dma_start3A_98 : memref<1x512xi32, #tpu.memory_space<hbm>> -> memref<512xi32, #tpu.memory_space<hbm>>
      %dma_start3A_100 = arith.constant 0 : i32
      %dma_start3A_101 = tpu.memref_slice %arg3[%select_n3A, %dma_start3A_100] : memref<16x512xi32, #tpu.memory_space<hbm>> -> memref<1x512xi32, #tpu.memory_space<hbm>>
      %dma_start3A_102 = tpu.memref_squeeze %dma_start3A_101 : memref<1x512xi32, #tpu.memory_space<hbm>> -> memref<512xi32, #tpu.memory_space<hbm>>
      tpu.enqueue_dma source(%dma_start3A_102 : memref<512xi32, #tpu.memory_space<hbm>>) target(%arg7 : memref<512xi32, #tpu.memory_space<vmem>>) target_semaphore(%run_scoped3A : memref<!tpu.dma_semaphore, #tpu.memory_space<semaphore_mem>>)
      %dma_wait3A = arith.constant 0 : i32
      %dma_wait3A_103 = tpu.memref_slice %arg3[%select_n3A, %dma_wait3A] : memref<16x512xi32, #tpu.memory_space<hbm>> -> memref<1x512xi32, #tpu.memory_space<hbm>>
      %dma_wait3A_104 = tpu.memref_squeeze %dma_wait3A_103 : memref<1x512xi32, #tpu.memory_space<hbm>> -> memref<512xi32, #tpu.memory_space<hbm>>
      %dma_wait3A_105 = arith.constant 0 : i32
      %dma_wait3A_106 = tpu.memref_slice %arg3[%select_n3A, %dma_wait3A_105] : memref<16x512xi32, #tpu.memory_space<hbm>> -> memref<1x512xi32, #tpu.memory_space<hbm>>
      %dma_wait3A_107 = tpu.memref_squeeze %dma_wait3A_106 : memref<1x512xi32, #tpu.memory_space<hbm>> -> memref<512xi32, #tpu.memory_space<hbm>>
      tpu.wait_dma2 semaphore(%run_scoped3A : memref<!tpu.dma_semaphore, #tpu.memory_space<semaphore_mem>>) src(%dma_wait3A_107 : memref<512xi32, #tpu.memory_space<hbm>>) dst(%arg7 : memref<512xi32, #tpu.memory_space<vmem>>)
      tpu.yield
    }) : () -> ()
    %broadcast_in_dim3A = arith.constant 0 : i32
    %broadcast_in_dim3A_33 = vector.broadcast %broadcast_in_dim3A : i32 to vector<16xi32>
    %broadcast_in_dim3A_34 = arith.constant 0.000000e+00 : f32
    %broadcast_in_dim3A_35 = vector.broadcast %broadcast_in_dim3A_34 : f32 to vector<16xf32>
    %iota3A = tpu.iota {dimensions = array<i32: 0>} : vector<16xi32>
    %scan3A = arith.constant 0 : i32
    %scan3A_36 = arith.constant 0 : i32
    %scan3A_37 = arith.constant 64 : i32
    %scan3A_38 = arith.addi %scan3A_36, %scan3A_37 : i32
    %scan3A_39 = arith.constant 1 : i32
    scf.for %scan3A_98 = %scan3A_36 to %scan3A_38 step %scan3A_39  : i32 {
      %mul3A_99 = arith.constant 16 : i32
      %mul3A_100 = arith.muli %scan3A_98, %mul3A_99 : i32
      %swap3A = arith.index_cast %mul3A_100 : i32 to index
      %swap3A_101 = tpu.vector_load %arg8[%swap3A] {strides = array<i32>} : memref<1024xi32, #tpu.memory_space<vmem>>, vector<16xi32>,
      tpu.vector_store %arg8[%swap3A], %broadcast_in_dim3A_33 {strides = array<i32>} : memref<1024xi32, #tpu.memory_space<vmem>>, vector<16xi32>,
    }
    %scan3A_40 = arith.constant 64 : i32
    %scan3A_41 = arith.constant 0 : i32
    %scan3A_42 = arith.constant 0 : i32
    %scan3A_43 = arith.constant 0 : i32
    %scan3A_44 = arith.constant 32 : i32
    %scan3A_45 = arith.addi %scan3A_43, %scan3A_44 : i32
    %scan3A_46 = arith.constant 1 : i32
    %scan3A_47:2 = scf.for %scan3A_98 = %scan3A_43 to %scan3A_45 step %scan3A_46 iter_args(%scan3A_99 = %scan3A_41, %scan3A_100 = %scan3A_42) -> (i32, i32)  : i32 {
      %mul3A_101 = arith.constant 16 : i32
      %mul3A_102 = arith.muli %scan3A_98, %mul3A_101 : i32
      %get3A = arith.index_cast %mul3A_102 : i32 to index
      %get3A_103 = tpu.vector_load %arg7[%get3A] {strides = array<i32>} : memref<512xi32, #tpu.memory_space<vmem>>, vector<16xi32>,
      %max3A_104 = arith.constant 0 : i32
      %max3A_105 = vector.broadcast %max3A_104 : i32 to vector<16xi32>
      %max3A_106 = arith.maxsi %get3A_103, %max3A_105 : vector<16xi32>
      %broadcast_in_dim3A_107 = arith.constant true
      %broadcast_in_dim3A_108 = vector.broadcast %broadcast_in_dim3A_107 : i1 to vector<16xi1>
      %masked_cumsum3A = tpu.scan <sum>, %max3A_106 masked %broadcast_in_dim3A_108 : vector<16xi32>, vector<16xi1> -> vector<16xi32>
      %add3A_109 = vector.broadcast %scan3A_99 : i32 to vector<16xi32>
      %add3A_110 = arith.addi %masked_cumsum3A, %add3A_109 : vector<16xi32>
      %sub3A_111 = arith.subi %add3A_110, %max3A_106 : vector<16xi32>
      %mul3A_112 = arith.constant 16 : i32
      %mul3A_113 = arith.muli %scan3A_98, %mul3A_112 : i32
      %add3A_114 = vector.broadcast %mul3A_113 : i32 to vector<16xi32>
      %add3A_115 = arith.addi %add3A_114, %iota3A : vector<16xi32>
      %gt3A_116 = arith.constant 0 : i32
      %gt3A_117 = vector.broadcast %gt3A_116 : i32 to vector<16xi32>
      %gt3A_118 = arith.cmpi sgt, %max3A_106, %gt3A_117 : vector<16xi32>
      %ge3A = vector.broadcast %mul3A_32 : i32 to vector<16xi32>
      %ge3A_119 = arith.cmpi sge, %sub3A_111, %ge3A : vector<16xi32>
      %and3A_120 = arith.andi %gt3A_118, %ge3A_119 : vector<16xi1>
      %add3A_121 = arith.constant 1024 : i32
      %add3A_122 = arith.addi %mul3A_32, %add3A_121 : i32
      %lt3A_123 = vector.broadcast %add3A_122 : i32 to vector<16xi32>
      %lt3A_124 = arith.cmpi slt, %sub3A_111, %lt3A_123 : vector<16xi32>
      %and3A_125 = arith.andi %and3A_120, %lt3A_124 : vector<16xi1>
      %sub3A_126 = vector.broadcast %mul3A_32 : i32 to vector<16xi32>
      %sub3A_127 = arith.subi %sub3A_111, %sub3A_126 : vector<16xi32>
      tpu.vector_store_idx %arg8[%sub3A_127], %add3A_115 masked %and3A_125 : memref<1024xi32, #tpu.memory_space<vmem>>[vector<16xi32>], vector<16xi32>, vector<16xi1>
      %le3A = vector.broadcast %mul3A_32 : i32 to vector<16xi32>
      %le3A_128 = arith.cmpi sle, %add3A_110, %le3A : vector<16xi32>
      %convert_element_type3A_129 = arith.extui %le3A_128 : vector<16xi1> to vector<16xi32>
      %reduce_sum3A = arith.constant true
      %reduce_sum3A_130 = vector.broadcast %reduce_sum3A : i1 to vector<16xi1>
      %reduce_sum3A_131 = tpu.scan <sum>, %convert_element_type3A_129 masked %reduce_sum3A_130 : vector<16xi32>, vector<16xi1> -> vector<16xi32>
      %reduce_sum3A_132 = vector.extract %reduce_sum3A_131[15] : i32 from vector<16xi32>
      %add3A_133 = arith.addi %scan3A_100, %reduce_sum3A_132 : i32
      %reduce_max3A = arith.constant true
      %reduce_max3A_134 = vector.broadcast %reduce_max3A : i1 to vector<16xi1>
      %reduce_max3A_135 = arith.constant -2147483648 : i32
      %reduce_max3A_136 = vector.broadcast %reduce_max3A_135 : i32 to vector<16xi32>
      %reduce_max3A_137 = arith.xori %add3A_110, %reduce_max3A_136 : vector<16xi32>
      %reduce_max3A_138 = tpu.scan <max>, %reduce_max3A_137 masked %reduce_max3A_134 : vector<16xi32>, vector<16xi1> -> vector<16xi32>
      %reduce_max3A_139 = arith.xori %reduce_max3A_138, %reduce_max3A_136 : vector<16xi32>
      %reduce_max3A_140 = vector.extract %reduce_max3A_139[15] : i32 from vector<16xi32>
      scf.yield %reduce_max3A_140, %add3A_133 : i32, i32
    }
    %scan3A_48 = arith.constant 32 : i32
    %mul3A_49 = arith.constant 2048 : i32
    %mul3A_50 = arith.muli %select_n3A, %mul3A_49 : i32
    %add3A_51 = arith.addi %mul3A_50, %mul3A_32 : i32
    %sub3A_52 = arith.subi %scan3A_47#0, %mul3A_32 : i32
    %jit3A_53 = arith.constant 0 : i32
    %jit3A_54 = arith.constant 1024 : i32
    %max3A = arith.maxsi %jit3A_53, %sub3A_52 : i32
    %min3A = arith.minsi %jit3A_54, %max3A : i32
    %scan3A_55 = arith.constant 0 : i32
    %scan3A_56 = arith.constant 8 : i32
    %scan3A_57 = arith.addi %scan3A_55, %scan3A_56 : i32
    %scan3A_58 = arith.constant 1 : i32
    %scan3A_59 = scf.for %scan3A_98 = %scan3A_55 to %scan3A_57 step %scan3A_58 iter_args(%scan3A_99 = %scan3A_47#1) -> (i32)  : i32 {
      %mul3A_100 = arith.constant 16 : i32
      %mul3A_101 = arith.muli %scan3A_98, %mul3A_100 : i32
      %get3A = arith.index_cast %mul3A_101 : i32 to index
      %get3A_102 = tpu.vector_load %arg8[%get3A] {strides = array<i32>} : memref<1024xi32, #tpu.memory_space<vmem>>, vector<16xi32>,
      %broadcast_in_dim3A_103 = arith.constant true
      %broadcast_in_dim3A_104 = vector.broadcast %broadcast_in_dim3A_103 : i1 to vector<16xi1>
      %masked_cummax3A = arith.constant -2147483648 : i32
      %masked_cummax3A_105 = vector.broadcast %masked_cummax3A : i32 to vector<16xi32>
      %masked_cummax3A_106 = arith.xori %get3A_102, %masked_cummax3A_105 : vector<16xi32>
      %masked_cummax3A_107 = tpu.scan <max>, %masked_cummax3A_106 masked %broadcast_in_dim3A_104 : vector<16xi32>, vector<16xi1> -> vector<16xi32>
      %masked_cummax3A_108 = arith.xori %masked_cummax3A_107, %masked_cummax3A_105 : vector<16xi32>
      %max3A_109 = vector.broadcast %scan3A_99 : i32 to vector<16xi32>
      %max3A_110 = arith.maxsi %masked_cummax3A_108, %max3A_109 : vector<16xi32>
      %mul3A_111 = arith.constant 16 : i32
      %mul3A_112 = arith.muli %scan3A_98, %mul3A_111 : i32
      %add3A_113 = arith.addi %mul3A_32, %mul3A_112 : i32
      %add3A_114 = vector.broadcast %add3A_113 : i32 to vector<16xi32>
      %add3A_115 = arith.addi %add3A_114, %iota3A : vector<16xi32>
      %lt3A_116 = vector.broadcast %scan3A_47#0 : i32 to vector<16xi32>
      %lt3A_117 = arith.cmpi slt, %add3A_115, %lt3A_116 : vector<16xi32>
      %mul3A_118 = arith.constant 512 : i32
      %mul3A_119 = arith.muli %select_n3A, %mul3A_118 : i32
      %and3A_120 = arith.constant 511 : i32
      %and3A_121 = vector.broadcast %and3A_120 : i32 to vector<16xi32>
      %and3A_122 = arith.andi %add3A_115, %and3A_121 : vector<16xi32>
      %select_n3A_123 = arith.select %lt3A_117, %max3A_110, %and3A_122 : vector<16xi1>, vector<16xi32>
      %add3A_124 = vector.broadcast %mul3A_119 : i32 to vector<16xi32>
      %add3A_125 = arith.addi %add3A_124, %select_n3A_123 : vector<16xi32>
      %mul3A_126 = arith.constant 16 : i32
      %mul3A_127 = arith.muli %scan3A_98, %mul3A_126 : i32
      %swap3A = arith.index_cast %mul3A_127 : i32 to index
      %swap3A_128 = tpu.vector_load %arg9[%swap3A] {strides = array<i32>} : memref<1024xi32, #tpu.memory_space<vmem>>, vector<16xi32>,
      tpu.vector_store %arg9[%swap3A], %add3A_125 {strides = array<i32>} : memref<1024xi32, #tpu.memory_space<vmem>>, vector<16xi32>,
      %convert_element_type3A_129 = arith.extui %lt3A_117 : vector<16xi1> to vector<16xi32>
      %mul3A_130 = arith.constant 16 : i32
      %mul3A_131 = arith.muli %scan3A_98, %mul3A_130 : i32
      %swap3A_132 = arith.index_cast %mul3A_131 : i32 to index
      %swap3A_133 = tpu.vector_load %arg10[%swap3A_132] {strides = array<i32>} : memref<1024xi32, #tpu.memory_space<vmem>>, vector<16xi32>,
      tpu.vector_store %arg10[%swap3A_132], %convert_element_type3A_129 {strides = array<i32>} : memref<1024xi32, #tpu.memory_space<vmem>>, vector<16xi32>,
      %reduce_max3A = arith.constant true
      %reduce_max3A_134 = vector.broadcast %reduce_max3A : i1 to vector<16xi1>
      %reduce_max3A_135 = arith.constant -2147483648 : i32
      %reduce_max3A_136 = vector.broadcast %reduce_max3A_135 : i32 to vector<16xi32>
      %reduce_max3A_137 = arith.xori %max3A_110, %reduce_max3A_136 : vector<16xi32>
      %reduce_max3A_138 = tpu.scan <max>, %reduce_max3A_137 masked %reduce_max3A_134 : vector<16xi32>, vector<16xi1> -> vector<16xi32>
      %reduce_max3A_139 = arith.xori %reduce_max3A_138, %reduce_max3A_136 : vector<16xi32>
      %reduce_max3A_140 = vector.extract %reduce_max3A_139[15] : i32 from vector<16xi32>
      scf.yield %reduce_max3A_140 : i32
    }
    %scan3A_60 = arith.constant 8 : i32
    %gt3A = arith.constant 0 : i32
    %gt3A_61 = arith.cmpi sgt, %min3A, %gt3A : i32
    %convert_element_type3A = arith.extui %gt3A_61 : i1 to i32
    %cond3A = arith.constant 0 : i32
    %cond3A_62 = arith.cmpi ne, %convert_element_type3A, %cond3A : i32
    scf.if %cond3A_62 {
      %dma_start3A = arith.constant 0 : i32
      %dma_start3A_98 = tpu.memref_slice %arg9[%dma_start3A] : memref<1024xi32, #tpu.memory_space<vmem>> -> memref<128xi32, #tpu.memory_space<vmem>>
      %dma_start3A_99 = arith.constant 0 : i32
      %dma_start3A_100 = arith.constant 0 : i32
      %dma_start3A_101 = tpu.memref_slice %arg2[%dma_start3A_99, %dma_start3A_100] : memref<8192x256xf32, #tpu.memory_space<hbm>> -> memref<8192x256xf32, #tpu.memory_space<hbm>>
      tpu.enqueue_indirect_dma source(%dma_start3A_101 : memref<8192x256xf32, #tpu.memory_space<hbm>>) target(%arg11 : memref<128x256xf32, #tpu.memory_space<vmem>>) offsets(%dma_start3A_98 : memref<128xi32, #tpu.memory_space<vmem>>) semaphore(%arg14 : memref<!tpu.dma_semaphore, #tpu.memory_space<semaphore_mem>>)
    } else {
    }
    %scan3A_63 = arith.constant 8 : i32
    %scan3A_64 = arith.constant 8 : i32
    %scan3A_65 = arith.addi %scan3A_63, %scan3A_64 : i32
    %scan3A_66 = arith.constant 1 : i32
    %scan3A_67 = scf.for %scan3A_98 = %scan3A_63 to %scan3A_65 step %scan3A_66 iter_args(%scan3A_99 = %scan3A_59) -> (i32)  : i32 {
      %mul3A_100 = arith.constant 16 : i32
      %mul3A_101 = arith.muli %scan3A_98, %mul3A_100 : i32
      %get3A = arith.index_cast %mul3A_101 : i32 to index
      %get3A_102 = tpu.vector_load %arg8[%get3A] {strides = array<i32>} : memref<1024xi32, #tpu.memory_space<vmem>>, vector<16xi32>,
      %broadcast_in_dim3A_103 = arith.constant true
      %broadcast_in_dim3A_104 = vector.broadcast %broadcast_in_dim3A_103 : i1 to vector<16xi1>
      %masked_cummax3A = arith.constant -2147483648 : i32
      %masked_cummax3A_105 = vector.broadcast %masked_cummax3A : i32 to vector<16xi32>
      %masked_cummax3A_106 = arith.xori %get3A_102, %masked_cummax3A_105 : vector<16xi32>
      %masked_cummax3A_107 = tpu.scan <max>, %masked_cummax3A_106 masked %broadcast_in_dim3A_104 : vector<16xi32>, vector<16xi1> -> vector<16xi32>
      %masked_cummax3A_108 = arith.xori %masked_cummax3A_107, %masked_cummax3A_105 : vector<16xi32>
      %max3A_109 = vector.broadcast %scan3A_99 : i32 to vector<16xi32>
      %max3A_110 = arith.maxsi %masked_cummax3A_108, %max3A_109 : vector<16xi32>
      %mul3A_111 = arith.constant 16 : i32
      %mul3A_112 = arith.muli %scan3A_98, %mul3A_111 : i32
      %add3A_113 = arith.addi %mul3A_32, %mul3A_112 : i32
      %add3A_114 = vector.broadcast %add3A_113 : i32 to vector<16xi32>
      %add3A_115 = arith.addi %add3A_114, %iota3A : vector<16xi32>
      %lt3A_116 = vector.broadcast %scan3A_47#0 : i32 to vector<16xi32>
      %lt3A_117 = arith.cmpi slt, %add3A_115, %lt3A_116 : vector<16xi32>
      %mul3A_118 = arith.constant 512 : i32
      %mul3A_119 = arith.muli %select_n3A, %mul3A_118 : i32
      %and3A_120 = arith.constant 511 : i32
      %and3A_121 = vector.broadcast %and3A_120 : i32 to vector<16xi32>
      %and3A_122 = arith.andi %add3A_115, %and3A_121 : vector<16xi32>
      %select_n3A_123 = arith.select %lt3A_117, %max3A_110, %and3A_122 : vector<16xi1>, vector<16xi32>
      %add3A_124 = vector.broadcast %mul3A_119 : i32 to vector<16xi32>
      %add3A_125 = arith.addi %add3A_124, %select_n3A_123 : vector<16xi32>
      %mul3A_126 = arith.constant 16 : i32
      %mul3A_127 = arith.muli %scan3A_98, %mul3A_126 : i32
      %swap3A = arith.index_cast %mul3A_127 : i32 to index
      %swap3A_128 = tpu.vector_load %arg9[%swap3A] {strides = array<i32>} : memref<1024xi32, #tpu.memory_space<vmem>>, vector<16xi32>,
      tpu.vector_store %arg9[%swap3A], %add3A_125 {strides = array<i32>} : memref<1024xi32, #tpu.memory_space<vmem>>, vector<16xi32>,
      %convert_element_type3A_129 = arith.extui %lt3A_117 : vector<16xi1> to vector<16xi32>
      %mul3A_130 = arith.constant 16 : i32
      %mul3A_131 = arith.muli %scan3A_98, %mul3A_130 : i32
      %swap3A_132 = arith.index_cast %mul3A_131 : i32 to index
      %swap3A_133 = tpu.vector_load %arg10[%swap3A_132] {strides = array<i32>} : memref<1024xi32, #tpu.memory_space<vmem>>, vector<16xi32>,
      tpu.vector_store %arg10[%swap3A_132], %convert_element_type3A_129 {strides = array<i32>} : memref<1024xi32, #tpu.memory_space<vmem>>, vector<16xi32>,
      %reduce_max3A = arith.constant true
      %reduce_max3A_134 = vector.broadcast %reduce_max3A : i1 to vector<16xi1>
      %reduce_max3A_135 = arith.constant -2147483648 : i32
      %reduce_max3A_136 = vector.broadcast %reduce_max3A_135 : i32 to vector<16xi32>
      %reduce_max3A_137 = arith.xori %max3A_110, %reduce_max3A_136 : vector<16xi32>
      %reduce_max3A_138 = tpu.scan <max>, %reduce_max3A_137 masked %reduce_max3A_134 : vector<16xi32>, vector<16xi1> -> vector<16xi32>
      %reduce_max3A_139 = arith.xori %reduce_max3A_138, %reduce_max3A_136 : vector<16xi32>
      %reduce_max3A_140 = vector.extract %reduce_max3A_139[15] : i32 from vector<16xi32>
      scf.yield %reduce_max3A_140 : i32
    }
    %scan3A_68 = arith.constant 8 : i32
    %gt3A_69 = arith.constant 128 : i32
    %gt3A_70 = arith.cmpi sgt, %min3A, %gt3A_69 : i32
    %convert_element_type3A_71 = arith.extui %gt3A_70 : i1 to i32
    %cond3A_72 = arith.constant 0 : i32
    %cond3A_73 = arith.cmpi ne, %convert_element_type3A_71, %cond3A_72 : i32
    scf.if %cond3A_73 {
      %dma_start3A = arith.constant 128 : i32
      %dma_start3A_98 = tpu.memref_slice %arg9[%dma_start3A] : memref<1024xi32, #tpu.memory_space<vmem>> -> memref<128xi32, #tpu.memory_space<vmem>>
      %dma_start3A_99 = arith.constant 0 : i32
      %dma_start3A_100 = arith.constant 0 : i32
      %dma_start3A_101 = tpu.memref_slice %arg2[%dma_start3A_99, %dma_start3A_100] : memref<8192x256xf32, #tpu.memory_space<hbm>> -> memref<8192x256xf32, #tpu.memory_space<hbm>>
      tpu.enqueue_indirect_dma source(%dma_start3A_101 : memref<8192x256xf32, #tpu.memory_space<hbm>>) target(%arg12 : memref<128x256xf32, #tpu.memory_space<vmem>>) offsets(%dma_start3A_98 : memref<128xi32, #tpu.memory_space<vmem>>) semaphore(%arg15 : memref<!tpu.dma_semaphore, #tpu.memory_space<semaphore_mem>>)
    } else {
    }
    tpu.wait_dma2 semaphore(%arg16 : memref<!tpu.dma_semaphore, #tpu.memory_space<semaphore_mem>>) src(%arg4 : memref<128x256xf32, #tpu.memory_space<hbm>>) dst(%arg13 : memref<128x256xf32, #tpu.memory_space<vmem>>)
    %scan3A_74 = arith.constant 0 : i32
    %scan3A_75 = arith.constant 0 : i32
    %scan3A_76 = arith.constant 8 : i32
    %scan3A_77 = arith.addi %scan3A_75, %scan3A_76 : i32
    %scan3A_78 = arith.constant 1 : i32
    scf.for %scan3A_98 = %scan3A_75 to %scan3A_77 step %scan3A_78  : i32 {
      %mul3A_99 = arith.constant 128 : i32
      %mul3A_100 = arith.muli %scan3A_98, %mul3A_99 : i32
      %ge3A = arith.cmpi sge, %mul3A_100, %min3A : i32
      %convert_element_type3A_101 = arith.extui %ge3A : i1 to i32
      %cond3A_102 = arith.constant 0 : i32
      %cond3A_103 = arith.cmpi ne, %convert_element_type3A_101, %cond3A_102 : i32
      scf.if %cond3A_103 {
        %mul3A_104 = arith.constant 128 : i32
        %mul3A_105 = arith.muli %scan3A_98, %mul3A_104 : i32
        %add3A_106 = arith.addi %mul3A_32, %mul3A_105 : i32
        %dma_start3A = arith.constant 0 : i32
        %dma_start3A_107 = tpu.memref_slice %arg5[%select_n3A, %add3A_106, %dma_start3A] : memref<16x2048x256xf32, #tpu.memory_space<hbm>> -> memref<1x128x256xf32, #tpu.memory_space<hbm>>
        %dma_start3A_108 = tpu.memref_squeeze %dma_start3A_107 : memref<1x128x256xf32, #tpu.memory_space<hbm>> -> memref<128x256xf32, #tpu.memory_space<hbm>>
        %dma_start3A_109 = arith.constant 0 : i32
        %dma_start3A_110 = tpu.memref_slice %arg5[%select_n3A, %add3A_106, %dma_start3A_109] : memref<16x2048x256xf32, #tpu.memory_space<hbm>> -> memref<1x128x256xf32, #tpu.memory_space<hbm>>
        %dma_start3A_111 = tpu.memref_squeeze %dma_start3A_110 : memref<1x128x256xf32, #tpu.memory_space<hbm>> -> memref<128x256xf32, #tpu.memory_space<hbm>>
        tpu.enqueue_dma source(%arg13 : memref<128x256xf32, #tpu.memory_space<vmem>>) target(%dma_start3A_111 : memref<128x256xf32, #tpu.memory_space<hbm>>) target_semaphore(%arg19 : memref<!tpu.dma_semaphore, #tpu.memory_space<semaphore_mem>>)
      } else {
      }
    }
    %scan3A_79 = arith.constant 8 : i32
    %scan3A_80 = arith.constant 16 : i32
    %scan3A_81 = arith.constant 48 : i32
    %scan3A_82 = arith.addi %scan3A_80, %scan3A_81 : i32
    %scan3A_83 = arith.constant 1 : i32
    %scan3A_84 = scf.for %scan3A_98 = %scan3A_80 to %scan3A_82 step %scan3A_83 iter_args(%scan3A_99 = %scan3A_67) -> (i32)  : i32 {
      %mul3A_100 = arith.constant 16 : i32
      %mul3A_101 = arith.muli %scan3A_98, %mul3A_100 : i32
      %get3A = arith.index_cast %mul3A_101 : i32 to index
      %get3A_102 = tpu.vector_load %arg8[%get3A] {strides = array<i32>} : memref<1024xi32, #tpu.memory_space<vmem>>, vector<16xi32>,
      %broadcast_in_dim3A_103 = arith.constant true
      %broadcast_in_dim3A_104 = vector.broadcast %broadcast_in_dim3A_103 : i1 to vector<16xi1>
      %masked_cummax3A = arith.constant -2147483648 : i32
      %masked_cummax3A_105 = vector.broadcast %masked_cummax3A : i32 to vector<16xi32>
      %masked_cummax3A_106 = arith.xori %get3A_102, %masked_cummax3A_105 : vector<16xi32>
      %masked_cummax3A_107 = tpu.scan <max>, %masked_cummax3A_106 masked %broadcast_in_dim3A_104 : vector<16xi32>, vector<16xi1> -> vector<16xi32>
      %masked_cummax3A_108 = arith.xori %masked_cummax3A_107, %masked_cummax3A_105 : vector<16xi32>
      %max3A_109 = vector.broadcast %scan3A_99 : i32 to vector<16xi32>
      %max3A_110 = arith.maxsi %masked_cummax3A_108, %max3A_109 : vector<16xi32>
      %mul3A_111 = arith.constant 16 : i32
      %mul3A_112 = arith.muli %scan3A_98, %mul3A_111 : i32
      %add3A_113 = arith.addi %mul3A_32, %mul3A_112 : i32
      %add3A_114 = vector.broadcast %add3A_113 : i32 to vector<16xi32>
      %add3A_115 = arith.addi %add3A_114, %iota3A : vector<16xi32>
      %lt3A_116 = vector.broadcast %scan3A_47#0 : i32 to vector<16xi32>
      %lt3A_117 = arith.cmpi slt, %add3A_115, %lt3A_116 : vector<16xi32>
      %mul3A_118 = arith.constant 512 : i32
      %mul3A_119 = arith.muli %select_n3A, %mul3A_118 : i32
      %and3A_120 = arith.constant 511 : i32
      %and3A_121 = vector.broadcast %and3A_120 : i32 to vector<16xi32>
      %and3A_122 = arith.andi %add3A_115, %and3A_121 : vector<16xi32>
      %select_n3A_123 = arith.select %lt3A_117, %max3A_110, %and3A_122 : vector<16xi1>, vector<16xi32>
      %add3A_124 = vector.broadcast %mul3A_119 : i32 to vector<16xi32>
      %add3A_125 = arith.addi %add3A_124, %select_n3A_123 : vector<16xi32>
      %mul3A_126 = arith.constant 16 : i32
      %mul3A_127 = arith.muli %scan3A_98, %mul3A_126 : i32
      %swap3A = arith.index_cast %mul3A_127 : i32 to index
      %swap3A_128 = tpu.vector_load %arg9[%swap3A] {strides = array<i32>} : memref<1024xi32, #tpu.memory_space<vmem>>, vector<16xi32>,
      tpu.vector_store %arg9[%swap3A], %add3A_125 {strides = array<i32>} : memref<1024xi32, #tpu.memory_space<vmem>>, vector<16xi32>,
      %convert_element_type3A_129 = arith.extui %lt3A_117 : vector<16xi1> to vector<16xi32>
      %mul3A_130 = arith.constant 16 : i32
      %mul3A_131 = arith.muli %scan3A_98, %mul3A_130 : i32
      %swap3A_132 = arith.index_cast %mul3A_131 : i32 to index
      %swap3A_133 = tpu.vector_load %arg10[%swap3A_132] {strides = array<i32>} : memref<1024xi32, #tpu.memory_space<vmem>>, vector<16xi32>,
      tpu.vector_store %arg10[%swap3A_132], %convert_element_type3A_129 {strides = array<i32>} : memref<1024xi32, #tpu.memory_space<vmem>>, vector<16xi32>,
      %reduce_max3A = arith.constant true
      %reduce_max3A_134 = vector.broadcast %reduce_max3A : i1 to vector<16xi1>
      %reduce_max3A_135 = arith.constant -2147483648 : i32
      %reduce_max3A_136 = vector.broadcast %reduce_max3A_135 : i32 to vector<16xi32>
      %reduce_max3A_137 = arith.xori %max3A_110, %reduce_max3A_136 : vector<16xi32>
      %reduce_max3A_138 = tpu.scan <max>, %reduce_max3A_137 masked %reduce_max3A_134 : vector<16xi32>, vector<16xi1> -> vector<16xi32>
      %reduce_max3A_139 = arith.xori %reduce_max3A_138, %reduce_max3A_136 : vector<16xi32>
      %reduce_max3A_140 = vector.extract %reduce_max3A_139[15] : i32 from vector<16xi32>
      scf.yield %reduce_max3A_140 : i32
    }
    %scan3A_85 = arith.constant 48 : i32
    "tpu.region"() ({
      %run_scoped3A = tpu.sem_alloc : memref<!tpu.dma_semaphore, #tpu.memory_space<semaphore_mem>>
      %dma_start3A = tpu.memref_slice %arg6[%select_n3A, %mul3A_32] : memref<16x2048xi32, #tpu.memory_space<hbm>> -> memref<1x1024xi32, #tpu.memory_space<hbm>>
      %dma_start3A_98 = tpu.memref_squeeze %dma_start3A : memref<1x1024xi32, #tpu.memory_space<hbm>> -> memref<1024xi32, #tpu.memory_space<hbm>>
      %dma_start3A_99 = tpu.memref_slice %arg6[%select_n3A, %mul3A_32] : memref<16x2048xi32, #tpu.memory_space<hbm>> -> memref<1x1024xi32, #tpu.memory_space<hbm>>
      %dma_start3A_100 = tpu.memref_squeeze %dma_start3A_99 : memref<1x1024xi32, #tpu.memory_space<hbm>> -> memref<1024xi32, #tpu.memory_space<hbm>>
      tpu.enqueue_dma source(%arg10 : memref<1024xi32, #tpu.memory_space<vmem>>) target(%dma_start3A_100 : memref<1024xi32, #tpu.memory_space<hbm>>) target_semaphore(%run_scoped3A : memref<!tpu.dma_semaphore, #tpu.memory_space<semaphore_mem>>)
      %dma_wait3A = tpu.memref_slice %arg6[%select_n3A, %mul3A_32] : memref<16x2048xi32, #tpu.memory_space<hbm>> -> memref<1x1024xi32, #tpu.memory_space<hbm>>
      %dma_wait3A_101 = tpu.memref_squeeze %dma_wait3A : memref<1x1024xi32, #tpu.memory_space<hbm>> -> memref<1024xi32, #tpu.memory_space<hbm>>
      %dma_wait3A_102 = tpu.memref_slice %arg6[%select_n3A, %mul3A_32] : memref<16x2048xi32, #tpu.memory_space<hbm>> -> memref<1x1024xi32, #tpu.memory_space<hbm>>
      %dma_wait3A_103 = tpu.memref_squeeze %dma_wait3A_102 : memref<1x1024xi32, #tpu.memory_space<hbm>> -> memref<1024xi32, #tpu.memory_space<hbm>>
      tpu.wait_dma2 semaphore(%run_scoped3A : memref<!tpu.dma_semaphore, #tpu.memory_space<semaphore_mem>>) src(%arg10 : memref<1024xi32, #tpu.memory_space<vmem>>) dst(%dma_wait3A_103 : memref<1024xi32, #tpu.memory_space<hbm>>)
      tpu.yield
    }) : () -> ()
    %scan3A_86 = arith.constant 0 : i32
    %scan3A_87 = arith.constant 0 : i32
    %scan3A_88 = arith.constant 4 : i32
    %scan3A_89 = arith.addi %scan3A_87, %scan3A_88 : i32
    %scan3A_90 = arith.constant 1 : i32
    scf.for %scan3A_98 = %scan3A_87 to %scan3A_89 step %scan3A_90  : i32 {
      %mul3A_99 = arith.constant 2 : i32
      %mul3A_100 = arith.muli %mul3A_99, %scan3A_98 : i32
      %mul3A_101 = arith.constant 128 : i32
      %mul3A_102 = arith.muli %mul3A_100, %mul3A_101 : i32
      %lt3A_103 = arith.cmpi slt, %mul3A_102, %min3A : i32
      %convert_element_type3A_104 = arith.extui %lt3A_103 : i1 to i32
      %cond3A_105 = arith.constant 0 : i32
      %cond3A_106 = arith.cmpi ne, %convert_element_type3A_104, %cond3A_105 : i32
      scf.if %cond3A_106 {
        %mul3A_131 = arith.constant 128 : i32
        %mul3A_132 = arith.muli %mul3A_100, %mul3A_131 : i32
        %dma_wait3A = tpu.memref_slice %arg9[%mul3A_132] : memref<1024xi32, #tpu.memory_space<vmem>> -> memref<128xi32, #tpu.memory_space<vmem>>
        %dma_wait3A_133 = arith.constant 0 : i32
        %dma_wait3A_134 = arith.constant 0 : i32
        %dma_wait3A_135 = tpu.memref_slice %arg2[%dma_wait3A_133, %dma_wait3A_134] : memref<8192x256xf32, #tpu.memory_space<hbm>> -> memref<8192x256xf32, #tpu.memory_space<hbm>>
        tpu.wait_indirect_dma semaphore(%arg14 : memref<!tpu.dma_semaphore, #tpu.memory_space<semaphore_mem>>) src(%dma_wait3A_135 : memref<8192x256xf32, #tpu.memory_space<hbm>>) dst(%arg11 : memref<128x256xf32, #tpu.memory_space<vmem>>)
        %add3A_136 = arith.constant 1 : i32
        %add3A_137 = arith.addi %mul3A_100, %add3A_136 : i32
        %mul3A_138 = arith.constant 128 : i32
        %mul3A_139 = arith.muli %add3A_137, %mul3A_138 : i32
        %lt3A_140 = arith.cmpi slt, %min3A, %mul3A_139 : i32
        %convert_element_type3A_141 = arith.extui %lt3A_140 : i1 to i32
        %cond3A_142 = arith.constant 0 : i32
        %cond3A_143 = arith.cmpi ne, %convert_element_type3A_141, %cond3A_142 : i32
        scf.if %cond3A_143 {
          %mul3A_152 = arith.constant 128 : i32
          %mul3A_153 = arith.muli %mul3A_100, %mul3A_152 : i32
          %sub3A_154 = arith.subi %min3A, %mul3A_153 : i32
          %add3A_155 = arith.constant 7 : i32
          %add3A_156 = arith.addi %sub3A_154, %add3A_155 : i32
          %shift_right_arithmetic3A = arith.constant 3 : i32
          %shift_right_arithmetic3A_157 = arith.shrsi %add3A_156, %shift_right_arithmetic3A : i32
          %shift_left3A = arith.constant 3 : i32
          %shift_left3A_158 = arith.shli %shift_right_arithmetic3A_157, %shift_left3A : i32
          %min3A_159 = arith.constant 128 : i32
          %min3A_160 = arith.minsi %shift_left3A_158, %min3A_159 : i32
          %while3A = arith.constant 0 : i32
          %while3A_161 = arith.subi %min3A_160, %sub3A_154 : i32
          %while3A_162 = arith.addi %sub3A_154, %while3A_161 : i32
          %while3A_163 = arith.constant 1 : i32
          %while3A_164 = arith.divsi %while3A_161, %while3A_163 : i32
          %while3A_165 = arith.muli %while3A_164, %while3A_163 : i32
          %while3A_166 = arith.addi %sub3A_154, %while3A_165 : i32
          %while3A_167 = arith.constant 1 : i32
          scf.for %while3A_215 = %sub3A_154 to %while3A_166 step %while3A_167  : i32 {
            %swap3A = arith.index_cast %while3A_215 : i32 to index
            %swap3A_216 = arith.constant 0 : index
            %swap3A_217 = tpu.vector_load %arg11[%swap3A, %swap3A_216] {strides = array<i32>} : memref<128x256xf32, #tpu.memory_space<vmem>>, vector<16xf32>,
            tpu.vector_store %arg11[%swap3A, %swap3A_216], %broadcast_in_dim3A_35 {strides = array<i32>} : memref<128x256xf32, #tpu.memory_space<vmem>>, vector<16xf32>,
            %swap3A_218 = arith.index_cast %while3A_215 : i32 to index
            %swap3A_219 = arith.constant 16 : index
            %swap3A_220 = tpu.vector_load %arg11[%swap3A_218, %swap3A_219] {strides = array<i32>} : memref<128x256xf32, #tpu.memory_space<vmem>>, vector<16xf32>,
            tpu.vector_store %arg11[%swap3A_218, %swap3A_219], %broadcast_in_dim3A_35 {strides = array<i32>} : memref<128x256xf32, #tpu.memory_space<vmem>>, vector<16xf32>,
            %swap3A_221 = arith.index_cast %while3A_215 : i32 to index
            %swap3A_222 = arith.constant 32 : index
            %swap3A_223 = tpu.vector_load %arg11[%swap3A_221, %swap3A_222] {strides = array<i32>} : memref<128x256xf32, #tpu.memory_space<vmem>>, vector<16xf32>,
            tpu.vector_store %arg11[%swap3A_221, %swap3A_222], %broadcast_in_dim3A_35 {strides = array<i32>} : memref<128x256xf32, #tpu.memory_space<vmem>>, vector<16xf32>,
            %swap3A_224 = arith.index_cast %while3A_215 : i32 to index
            %swap3A_225 = arith.constant 48 : index
            %swap3A_226 = tpu.vector_load %arg11[%swap3A_224, %swap3A_225] {strides = array<i32>} : memref<128x256xf32, #tpu.memory_space<vmem>>, vector<16xf32>,
            tpu.vector_store %arg11[%swap3A_224, %swap3A_225], %broadcast_in_dim3A_35 {strides = array<i32>} : memref<128x256xf32, #tpu.memory_space<vmem>>, vector<16xf32>,
            %swap3A_227 = arith.index_cast %while3A_215 : i32 to index
            %swap3A_228 = arith.constant 64 : index
            %swap3A_229 = tpu.vector_load %arg11[%swap3A_227, %swap3A_228] {strides = array<i32>} : memref<128x256xf32, #tpu.memory_space<vmem>>, vector<16xf32>,
            tpu.vector_store %arg11[%swap3A_227, %swap3A_228], %broadcast_in_dim3A_35 {strides = array<i32>} : memref<128x256xf32, #tpu.memory_space<vmem>>, vector<16xf32>,
            %swap3A_230 = arith.index_cast %while3A_215 : i32 to index
            %swap3A_231 = arith.constant 80 : index
            %swap3A_232 = tpu.vector_load %arg11[%swap3A_230, %swap3A_231] {strides = array<i32>} : memref<128x256xf32, #tpu.memory_space<vmem>>, vector<16xf32>,
            tpu.vector_store %arg11[%swap3A_230, %swap3A_231], %broadcast_in_dim3A_35 {strides = array<i32>} : memref<128x256xf32, #tpu.memory_space<vmem>>, vector<16xf32>,
            %swap3A_233 = arith.index_cast %while3A_215 : i32 to index
            %swap3A_234 = arith.constant 96 : index
            %swap3A_235 = tpu.vector_load %arg11[%swap3A_233, %swap3A_234] {strides = array<i32>} : memref<128x256xf32, #tpu.memory_space<vmem>>, vector<16xf32>,
            tpu.vector_store %arg11[%swap3A_233, %swap3A_234], %broadcast_in_dim3A_35 {strides = array<i32>} : memref<128x256xf32, #tpu.memory_space<vmem>>, vector<16xf32>,
            %swap3A_236 = arith.index_cast %while3A_215 : i32 to index
            %swap3A_237 = arith.constant 112 : index
            %swap3A_238 = tpu.vector_load %arg11[%swap3A_236, %swap3A_237] {strides = array<i32>} : memref<128x256xf32, #tpu.memory_space<vmem>>, vector<16xf32>,
            tpu.vector_store %arg11[%swap3A_236, %swap3A_237], %broadcast_in_dim3A_35 {strides = array<i32>} : memref<128x256xf32, #tpu.memory_space<vmem>>, vector<16xf32>,
            %swap3A_239 = arith.index_cast %while3A_215 : i32 to index
            %swap3A_240 = arith.constant 128 : index
            %swap3A_241 = tpu.vector_load %arg11[%swap3A_239, %swap3A_240] {strides = array<i32>} : memref<128x256xf32, #tpu.memory_space<vmem>>, vector<16xf32>,
            tpu.vector_store %arg11[%swap3A_239, %swap3A_240], %broadcast_in_dim3A_35 {strides = array<i32>} : memref<128x256xf32, #tpu.memory_space<vmem>>, vector<16xf32>,
            %swap3A_242 = arith.index_cast %while3A_215 : i32 to index
            %swap3A_243 = arith.constant 144 : index
            %swap3A_244 = tpu.vector_load %arg11[%swap3A_242, %swap3A_243] {strides = array<i32>} : memref<128x256xf32, #tpu.memory_space<vmem>>, vector<16xf32>,
            tpu.vector_store %arg11[%swap3A_242, %swap3A_243], %broadcast_in_dim3A_35 {strides = array<i32>} : memref<128x256xf32, #tpu.memory_space<vmem>>, vector<16xf32>,
            %swap3A_245 = arith.index_cast %while3A_215 : i32 to index
            %swap3A_246 = arith.constant 160 : index
            %swap3A_247 = tpu.vector_load %arg11[%swap3A_245, %swap3A_246] {strides = array<i32>} : memref<128x256xf32, #tpu.memory_space<vmem>>, vector<16xf32>,
            tpu.vector_store %arg11[%swap3A_245, %swap3A_246], %broadcast_in_dim3A_35 {strides = array<i32>} : memref<128x256xf32, #tpu.memory_space<vmem>>, vector<16xf32>,
            %swap3A_248 = arith.index_cast %while3A_215 : i32 to index
            %swap3A_249 = arith.constant 176 : index
            %swap3A_250 = tpu.vector_load %arg11[%swap3A_248, %swap3A_249] {strides = array<i32>} : memref<128x256xf32, #tpu.memory_space<vmem>>, vector<16xf32>,
            tpu.vector_store %arg11[%swap3A_248, %swap3A_249], %broadcast_in_dim3A_35 {strides = array<i32>} : memref<128x256xf32, #tpu.memory_space<vmem>>, vector<16xf32>,
            %swap3A_251 = arith.index_cast %while3A_215 : i32 to index
            %swap3A_252 = arith.constant 192 : index
            %swap3A_253 = tpu.vector_load %arg11[%swap3A_251, %swap3A_252] {strides = array<i32>} : memref<128x256xf32, #tpu.memory_space<vmem>>, vector<16xf32>,
            tpu.vector_store %arg11[%swap3A_251, %swap3A_252], %broadcast_in_dim3A_35 {strides = array<i32>} : memref<128x256xf32, #tpu.memory_space<vmem>>, vector<16xf32>,
            %swap3A_254 = arith.index_cast %while3A_215 : i32 to index
            %swap3A_255 = arith.constant 208 : index
            %swap3A_256 = tpu.vector_load %arg11[%swap3A_254, %swap3A_255] {strides = array<i32>} : memref<128x256xf32, #tpu.memory_space<vmem>>, vector<16xf32>,
            tpu.vector_store %arg11[%swap3A_254, %swap3A_255], %broadcast_in_dim3A_35 {strides = array<i32>} : memref<128x256xf32, #tpu.memory_space<vmem>>, vector<16xf32>,
            %swap3A_257 = arith.index_cast %while3A_215 : i32 to index
            %swap3A_258 = arith.constant 224 : index
            %swap3A_259 = tpu.vector_load %arg11[%swap3A_257, %swap3A_258] {strides = array<i32>} : memref<128x256xf32, #tpu.memory_space<vmem>>, vector<16xf32>,
            tpu.vector_store %arg11[%swap3A_257, %swap3A_258], %broadcast_in_dim3A_35 {strides = array<i32>} : memref<128x256xf32, #tpu.memory_space<vmem>>, vector<16xf32>,
            %swap3A_260 = arith.index_cast %while3A_215 : i32 to index
            %swap3A_261 = arith.constant 240 : index
            %swap3A_262 = tpu.vector_load %arg11[%swap3A_260, %swap3A_261] {strides = array<i32>} : memref<128x256xf32, #tpu.memory_space<vmem>>, vector<16xf32>,
            tpu.vector_store %arg11[%swap3A_260, %swap3A_261], %broadcast_in_dim3A_35 {strides = array<i32>} : memref<128x256xf32, #tpu.memory_space<vmem>>, vector<16xf32>,
          }
          %while3A_168 = arith.constant 1 : i32
          scf.for %while3A_215 = %while3A_166 to %while3A_162 step %while3A_168  : i32 {
            %swap3A = arith.index_cast %while3A_215 : i32 to index
            %swap3A_216 = arith.constant 0 : index
            %swap3A_217 = tpu.vector_load %arg11[%swap3A, %swap3A_216] {strides = array<i32>} : memref<128x256xf32, #tpu.memory_space<vmem>>, vector<16xf32>,
            tpu.vector_store %arg11[%swap3A, %swap3A_216], %broadcast_in_dim3A_35 {strides = array<i32>} : memref<128x256xf32, #tpu.memory_space<vmem>>, vector<16xf32>,
            %swap3A_218 = arith.index_cast %while3A_215 : i32 to index
            %swap3A_219 = arith.constant 16 : index
            %swap3A_220 = tpu.vector_load %arg11[%swap3A_218, %swap3A_219] {strides = array<i32>} : memref<128x256xf32, #tpu.memory_space<vmem>>, vector<16xf32>,
            tpu.vector_store %arg11[%swap3A_218, %swap3A_219], %broadcast_in_dim3A_35 {strides = array<i32>} : memref<128x256xf32, #tpu.memory_space<vmem>>, vector<16xf32>,
            %swap3A_221 = arith.index_cast %while3A_215 : i32 to index
            %swap3A_222 = arith.constant 32 : index
            %swap3A_223 = tpu.vector_load %arg11[%swap3A_221, %swap3A_222] {strides = array<i32>} : memref<128x256xf32, #tpu.memory_space<vmem>>, vector<16xf32>,
            tpu.vector_store %arg11[%swap3A_221, %swap3A_222], %broadcast_in_dim3A_35 {strides = array<i32>} : memref<128x256xf32, #tpu.memory_space<vmem>>, vector<16xf32>,
            %swap3A_224 = arith.index_cast %while3A_215 : i32 to index
            %swap3A_225 = arith.constant 48 : index
            %swap3A_226 = tpu.vector_load %arg11[%swap3A_224, %swap3A_225] {strides = array<i32>} : memref<128x256xf32, #tpu.memory_space<vmem>>, vector<16xf32>,
            tpu.vector_store %arg11[%swap3A_224, %swap3A_225], %broadcast_in_dim3A_35 {strides = array<i32>} : memref<128x256xf32, #tpu.memory_space<vmem>>, vector<16xf32>,
            %swap3A_227 = arith.index_cast %while3A_215 : i32 to index
            %swap3A_228 = arith.constant 64 : index
            %swap3A_229 = tpu.vector_load %arg11[%swap3A_227, %swap3A_228] {strides = array<i32>} : memref<128x256xf32, #tpu.memory_space<vmem>>, vector<16xf32>,
            tpu.vector_store %arg11[%swap3A_227, %swap3A_228], %broadcast_in_dim3A_35 {strides = array<i32>} : memref<128x256xf32, #tpu.memory_space<vmem>>, vector<16xf32>,
            %swap3A_230 = arith.index_cast %while3A_215 : i32 to index
            %swap3A_231 = arith.constant 80 : index
            %swap3A_232 = tpu.vector_load %arg11[%swap3A_230, %swap3A_231] {strides = array<i32>} : memref<128x256xf32, #tpu.memory_space<vmem>>, vector<16xf32>,
            tpu.vector_store %arg11[%swap3A_230, %swap3A_231], %broadcast_in_dim3A_35 {strides = array<i32>} : memref<128x256xf32, #tpu.memory_space<vmem>>, vector<16xf32>,
            %swap3A_233 = arith.index_cast %while3A_215 : i32 to index
            %swap3A_234 = arith.constant 96 : index
            %swap3A_235 = tpu.vector_load %arg11[%swap3A_233, %swap3A_234] {strides = array<i32>} : memref<128x256xf32, #tpu.memory_space<vmem>>, vector<16xf32>,
            tpu.vector_store %arg11[%swap3A_233, %swap3A_234], %broadcast_in_dim3A_35 {strides = array<i32>} : memref<128x256xf32, #tpu.memory_space<vmem>>, vector<16xf32>,
            %swap3A_236 = arith.index_cast %while3A_215 : i32 to index
            %swap3A_237 = arith.constant 112 : index
            %swap3A_238 = tpu.vector_load %arg11[%swap3A_236, %swap3A_237] {strides = array<i32>} : memref<128x256xf32, #tpu.memory_space<vmem>>, vector<16xf32>,
            tpu.vector_store %arg11[%swap3A_236, %swap3A_237], %broadcast_in_dim3A_35 {strides = array<i32>} : memref<128x256xf32, #tpu.memory_space<vmem>>, vector<16xf32>,
            %swap3A_239 = arith.index_cast %while3A_215 : i32 to index
            %swap3A_240 = arith.constant 128 : index
            %swap3A_241 = tpu.vector_load %arg11[%swap3A_239, %swap3A_240] {strides = array<i32>} : memref<128x256xf32, #tpu.memory_space<vmem>>, vector<16xf32>,
            tpu.vector_store %arg11[%swap3A_239, %swap3A_240], %broadcast_in_dim3A_35 {strides = array<i32>} : memref<128x256xf32, #tpu.memory_space<vmem>>, vector<16xf32>,
            %swap3A_242 = arith.index_cast %while3A_215 : i32 to index
            %swap3A_243 = arith.constant 144 : index
            %swap3A_244 = tpu.vector_load %arg11[%swap3A_242, %swap3A_243] {strides = array<i32>} : memref<128x256xf32, #tpu.memory_space<vmem>>, vector<16xf32>,
            tpu.vector_store %arg11[%swap3A_242, %swap3A_243], %broadcast_in_dim3A_35 {strides = array<i32>} : memref<128x256xf32, #tpu.memory_space<vmem>>, vector<16xf32>,
            %swap3A_245 = arith.index_cast %while3A_215 : i32 to index
            %swap3A_246 = arith.constant 160 : index
            %swap3A_247 = tpu.vector_load %arg11[%swap3A_245, %swap3A_246] {strides = array<i32>} : memref<128x256xf32, #tpu.memory_space<vmem>>, vector<16xf32>,
            tpu.vector_store %arg11[%swap3A_245, %swap3A_246], %broadcast_in_dim3A_35 {strides = array<i32>} : memref<128x256xf32, #tpu.memory_space<vmem>>, vector<16xf32>,
            %swap3A_248 = arith.index_cast %while3A_215 : i32 to index
            %swap3A_249 = arith.constant 176 : index
            %swap3A_250 = tpu.vector_load %arg11[%swap3A_248, %swap3A_249] {strides = array<i32>} : memref<128x256xf32, #tpu.memory_space<vmem>>, vector<16xf32>,
            tpu.vector_store %arg11[%swap3A_248, %swap3A_249], %broadcast_in_dim3A_35 {strides = array<i32>} : memref<128x256xf32, #tpu.memory_space<vmem>>, vector<16xf32>,
            %swap3A_251 = arith.index_cast %while3A_215 : i32 to index
            %swap3A_252 = arith.constant 192 : index
            %swap3A_253 = tpu.vector_load %arg11[%swap3A_251, %swap3A_252] {strides = array<i32>} : memref<128x256xf32, #tpu.memory_space<vmem>>, vector<16xf32>,
            tpu.vector_store %arg11[%swap3A_251, %swap3A_252], %broadcast_in_dim3A_35 {strides = array<i32>} : memref<128x256xf32, #tpu.memory_space<vmem>>, vector<16xf32>,
            %swap3A_254 = arith.index_cast %while3A_215 : i32 to index
            %swap3A_255 = arith.constant 208 : index
            %swap3A_256 = tpu.vector_load %arg11[%swap3A_254, %swap3A_255] {strides = array<i32>} : memref<128x256xf32, #tpu.memory_space<vmem>>, vector<16xf32>,
            tpu.vector_store %arg11[%swap3A_254, %swap3A_255], %broadcast_in_dim3A_35 {strides = array<i32>} : memref<128x256xf32, #tpu.memory_space<vmem>>, vector<16xf32>,
            %swap3A_257 = arith.index_cast %while3A_215 : i32 to index
            %swap3A_258 = arith.constant 224 : index
            %swap3A_259 = tpu.vector_load %arg11[%swap3A_257, %swap3A_258] {strides = array<i32>} : memref<128x256xf32, #tpu.memory_space<vmem>>, vector<16xf32>,
            tpu.vector_store %arg11[%swap3A_257, %swap3A_258], %broadcast_in_dim3A_35 {strides = array<i32>} : memref<128x256xf32, #tpu.memory_space<vmem>>, vector<16xf32>,
            %swap3A_260 = arith.index_cast %while3A_215 : i32 to index
            %swap3A_261 = arith.constant 240 : index
            %swap3A_262 = tpu.vector_load %arg11[%swap3A_260, %swap3A_261] {strides = array<i32>} : memref<128x256xf32, #tpu.memory_space<vmem>>, vector<16xf32>,
            tpu.vector_store %arg11[%swap3A_260, %swap3A_261], %broadcast_in_dim3A_35 {strides = array<i32>} : memref<128x256xf32, #tpu.memory_space<vmem>>, vector<16xf32>,
          }
          %sub3A_169 = arith.constant 128 : i32
          %sub3A_170 = arith.subi %sub3A_169, %min3A_160 : i32
          %and3A_171 = arith.constant 64 : i32
          %and3A_172 = arith.andi %sub3A_170, %and3A_171 : i32
          %ne3A_173 = arith.constant 0 : i32
          %ne3A_174 = arith.cmpi ne, %and3A_172, %ne3A_173 : i32
          %convert_element_type3A_175 = arith.extui %ne3A_174 : i1 to i32
          %cond3A_176 = arith.constant 0 : i32
          %cond3A_177 = arith.cmpi ne, %convert_element_type3A_175, %cond3A_176 : i32
          scf.if %cond3A_177 {
            %multiple_of3A = tpu.assume_multiple %min3A_160, 8 : i32
            "tpu.region"() ({
              %run_scoped3A = tpu.sem_alloc : memref<!tpu.dma_semaphore, #tpu.memory_space<semaphore_mem>>
              %dma_start3A_215 = arith.constant 0 : i32
              %dma_start3A_216 = tpu.memref_slice %arg11[%multiple_of3A, %dma_start3A_215] : memref<128x256xf32, #tpu.memory_space<vmem>> -> memref<64x256xf32, #tpu.memory_space<vmem>>
              %dma_start3A_217 = arith.constant 0 : i32
              %dma_start3A_218 = arith.constant 0 : i32
              %dma_start3A_219 = tpu.memref_slice %arg4[%dma_start3A_217, %dma_start3A_218] : memref<128x256xf32, #tpu.memory_space<hbm>> -> memref<64x256xf32, #tpu.memory_space<hbm>>
              %dma_start3A_220 = arith.constant 0 : i32
              %dma_start3A_221 = tpu.memref_slice %arg11[%multiple_of3A, %dma_start3A_220] : memref<128x256xf32, #tpu.memory_space<vmem>> -> memref<64x256xf32, #tpu.memory_space<vmem>>
              %dma_start3A_222 = arith.constant 0 : i32
              %dma_start3A_223 = arith.constant 0 : i32
              %dma_start3A_224 = tpu.memref_slice %arg4[%dma_start3A_222, %dma_start3A_223] : memref<128x256xf32, #tpu.memory_space<hbm>> -> memref<64x256xf32, #tpu.memory_space<hbm>>
              tpu.enqueue_dma source(%dma_start3A_224 : memref<64x256xf32, #tpu.memory_space<hbm>>) target(%dma_start3A_221 : memref<64x256xf32, #tpu.memory_space<vmem>>) target_semaphore(%run_scoped3A : memref<!tpu.dma_semaphore, #tpu.memory_space<semaphore_mem>>)
              %dma_wait3A_225 = arith.constant 0 : i32
              %dma_wait3A_226 = tpu.memref_slice %arg11[%multiple_of3A, %dma_wait3A_225] : memref<128x256xf32, #tpu.memory_space<vmem>> -> memref<64x256xf32, #tpu.memory_space<vmem>>
              %dma_wait3A_227 = arith.constant 0 : i32
              %dma_wait3A_228 = arith.constant 0 : i32
              %dma_wait3A_229 = tpu.memref_slice %arg4[%dma_wait3A_227, %dma_wait3A_228] : memref<128x256xf32, #tpu.memory_space<hbm>> -> memref<64x256xf32, #tpu.memory_space<hbm>>
              %dma_wait3A_230 = arith.constant 0 : i32
              %dma_wait3A_231 = tpu.memref_slice %arg11[%multiple_of3A, %dma_wait3A_230] : memref<128x256xf32, #tpu.memory_space<vmem>> -> memref<64x256xf32, #tpu.memory_space<vmem>>
              %dma_wait3A_232 = arith.constant 0 : i32
              %dma_wait3A_233 = arith.constant 0 : i32
              %dma_wait3A_234 = tpu.memref_slice %arg4[%dma_wait3A_232, %dma_wait3A_233] : memref<128x256xf32, #tpu.memory_space<hbm>> -> memref<64x256xf32, #tpu.memory_space<hbm>>
              tpu.wait_dma2 semaphore(%run_scoped3A : memref<!tpu.dma_semaphore, #tpu.memory_space<semaphore_mem>>) src(%dma_wait3A_234 : memref<64x256xf32, #tpu.memory_space<hbm>>) dst(%dma_wait3A_231 : memref<64x256xf32, #tpu.memory_space<vmem>>)
              tpu.yield
            }) : () -> ()
          } else {
          }
          %jit3A_178 = arith.constant 64 : i32
          %jit3A_179 = arith.constant 0 : i32
          %select_n3A_180 = arith.select %ne3A_174, %jit3A_178, %jit3A_179 : i32
          %add3A_181 = arith.addi %min3A_160, %select_n3A_180 : i32
          %and3A_182 = arith.constant 32 : i32
          %and3A_183 = arith.andi %sub3A_170, %and3A_182 : i32
          %ne3A_184 = arith.constant 0 : i32
          %ne3A_185 = arith.cmpi ne, %and3A_183, %ne3A_184 : i32
          %convert_element_type3A_186 = arith.extui %ne3A_185 : i1 to i32
          %cond3A_187 = arith.constant 0 : i32
          %cond3A_188 = arith.cmpi ne, %convert_element_type3A_186, %cond3A_187 : i32
          scf.if %cond3A_188 {
            %multiple_of3A = tpu.assume_multiple %add3A_181, 8 : i32
            "tpu.region"() ({
              %run_scoped3A = tpu.sem_alloc : memref<!tpu.dma_semaphore, #tpu.memory_space<semaphore_mem>>
              %dma_start3A_215 = arith.constant 0 : i32
              %dma_start3A_216 = tpu.memref_slice %arg11[%multiple_of3A, %dma_start3A_215] : memref<128x256xf32, #tpu.memory_space<vmem>> -> memref<32x256xf32, #tpu.memory_space<vmem>>
              %dma_start3A_217 = arith.constant 0 : i32
              %dma_start3A_218 = arith.constant 0 : i32
              %dma_start3A_219 = tpu.memref_slice %arg4[%dma_start3A_217, %dma_start3A_218] : memref<128x256xf32, #tpu.memory_space<hbm>> -> memref<32x256xf32, #tpu.memory_space<hbm>>
              %dma_start3A_220 = arith.constant 0 : i32
              %dma_start3A_221 = tpu.memref_slice %arg11[%multiple_of3A, %dma_start3A_220] : memref<128x256xf32, #tpu.memory_space<vmem>> -> memref<32x256xf32, #tpu.memory_space<vmem>>
              %dma_start3A_222 = arith.constant 0 : i32
              %dma_start3A_223 = arith.constant 0 : i32
              %dma_start3A_224 = tpu.memref_slice %arg4[%dma_start3A_222, %dma_start3A_223] : memref<128x256xf32, #tpu.memory_space<hbm>> -> memref<32x256xf32, #tpu.memory_space<hbm>>
              tpu.enqueue_dma source(%dma_start3A_224 : memref<32x256xf32, #tpu.memory_space<hbm>>) target(%dma_start3A_221 : memref<32x256xf32, #tpu.memory_space<vmem>>) target_semaphore(%run_scoped3A : memref<!tpu.dma_semaphore, #tpu.memory_space<semaphore_mem>>)
              %dma_wait3A_225 = arith.constant 0 : i32
              %dma_wait3A_226 = tpu.memref_slice %arg11[%multiple_of3A, %dma_wait3A_225] : memref<128x256xf32, #tpu.memory_space<vmem>> -> memref<32x256xf32, #tpu.memory_space<vmem>>
              %dma_wait3A_227 = arith.constant 0 : i32
              %dma_wait3A_228 = arith.constant 0 : i32
              %dma_wait3A_229 = tpu.memref_slice %arg4[%dma_wait3A_227, %dma_wait3A_228] : memref<128x256xf32, #tpu.memory_space<hbm>> -> memref<32x256xf32, #tpu.memory_space<hbm>>
              %dma_wait3A_230 = arith.constant 0 : i32
              %dma_wait3A_231 = tpu.memref_slice %arg11[%multiple_of3A, %dma_wait3A_230] : memref<128x256xf32, #tpu.memory_space<vmem>> -> memref<32x256xf32, #tpu.memory_space<vmem>>
              %dma_wait3A_232 = arith.constant 0 : i32
              %dma_wait3A_233 = arith.constant 0 : i32
              %dma_wait3A_234 = tpu.memref_slice %arg4[%dma_wait3A_232, %dma_wait3A_233] : memref<128x256xf32, #tpu.memory_space<hbm>> -> memref<32x256xf32, #tpu.memory_space<hbm>>
              tpu.wait_dma2 semaphore(%run_scoped3A : memref<!tpu.dma_semaphore, #tpu.memory_space<semaphore_mem>>) src(%dma_wait3A_234 : memref<32x256xf32, #tpu.memory_space<hbm>>) dst(%dma_wait3A_231 : memref<32x256xf32, #tpu.memory_space<vmem>>)
              tpu.yield
            }) : () -> ()
          } else {
          }
          %jit3A_189 = arith.constant 32 : i32
          %jit3A_190 = arith.constant 0 : i32
          %select_n3A_191 = arith.select %ne3A_185, %jit3A_189, %jit3A_190 : i32
          %add3A_192 = arith.addi %add3A_181, %select_n3A_191 : i32
          %and3A_193 = arith.constant 16 : i32
          %and3A_194 = arith.andi %sub3A_170, %and3A_193 : i32
          %ne3A_195 = arith.constant 0 : i32
          %ne3A_196 = arith.cmpi ne, %and3A_194, %ne3A_195 : i32
          %convert_element_type3A_197 = arith.extui %ne3A_196 : i1 to i32
          %cond3A_198 = arith.constant 0 : i32
          %cond3A_199 = arith.cmpi ne, %convert_element_type3A_197, %cond3A_198 : i32
          scf.if %cond3A_199 {
            %multiple_of3A = tpu.assume_multiple %add3A_192, 8 : i32
            "tpu.region"() ({
              %run_scoped3A = tpu.sem_alloc : memref<!tpu.dma_semaphore, #tpu.memory_space<semaphore_mem>>
              %dma_start3A_215 = arith.constant 0 : i32
              %dma_start3A_216 = tpu.memref_slice %arg11[%multiple_of3A, %dma_start3A_215] : memref<128x256xf32, #tpu.memory_space<vmem>> -> memref<16x256xf32, #tpu.memory_space<vmem>>
              %dma_start3A_217 = arith.constant 0 : i32
              %dma_start3A_218 = arith.constant 0 : i32
              %dma_start3A_219 = tpu.memref_slice %arg4[%dma_start3A_217, %dma_start3A_218] : memref<128x256xf32, #tpu.memory_space<hbm>> -> memref<16x256xf32, #tpu.memory_space<hbm>>
              %dma_start3A_220 = arith.constant 0 : i32
              %dma_start3A_221 = tpu.memref_slice %arg11[%multiple_of3A, %dma_start3A_220] : memref<128x256xf32, #tpu.memory_space<vmem>> -> memref<16x256xf32, #tpu.memory_space<vmem>>
              %dma_start3A_222 = arith.constant 0 : i32
              %dma_start3A_223 = arith.constant 0 : i32
              %dma_start3A_224 = tpu.memref_slice %arg4[%dma_start3A_222, %dma_start3A_223] : memref<128x256xf32, #tpu.memory_space<hbm>> -> memref<16x256xf32, #tpu.memory_space<hbm>>
              tpu.enqueue_dma source(%dma_start3A_224 : memref<16x256xf32, #tpu.memory_space<hbm>>) target(%dma_start3A_221 : memref<16x256xf32, #tpu.memory_space<vmem>>) target_semaphore(%run_scoped3A : memref<!tpu.dma_semaphore, #tpu.memory_space<semaphore_mem>>)
              %dma_wait3A_225 = arith.constant 0 : i32
              %dma_wait3A_226 = tpu.memref_slice %arg11[%multiple_of3A, %dma_wait3A_225] : memref<128x256xf32, #tpu.memory_space<vmem>> -> memref<16x256xf32, #tpu.memory_space<vmem>>
              %dma_wait3A_227 = arith.constant 0 : i32
              %dma_wait3A_228 = arith.constant 0 : i32
              %dma_wait3A_229 = tpu.memref_slice %arg4[%dma_wait3A_227, %dma_wait3A_228] : memref<128x256xf32, #tpu.memory_space<hbm>> -> memref<16x256xf32, #tpu.memory_space<hbm>>
              %dma_wait3A_230 = arith.constant 0 : i32
              %dma_wait3A_231 = tpu.memref_slice %arg11[%multiple_of3A, %dma_wait3A_230] : memref<128x256xf32, #tpu.memory_space<vmem>> -> memref<16x256xf32, #tpu.memory_space<vmem>>
              %dma_wait3A_232 = arith.constant 0 : i32
              %dma_wait3A_233 = arith.constant 0 : i32
              %dma_wait3A_234 = tpu.memref_slice %arg4[%dma_wait3A_232, %dma_wait3A_233] : memref<128x256xf32, #tpu.memory_space<hbm>> -> memref<16x256xf32, #tpu.memory_space<hbm>>
              tpu.wait_dma2 semaphore(%run_scoped3A : memref<!tpu.dma_semaphore, #tpu.memory_space<semaphore_mem>>) src(%dma_wait3A_234 : memref<16x256xf32, #tpu.memory_space<hbm>>) dst(%dma_wait3A_231 : memref<16x256xf32, #tpu.memory_space<vmem>>)
              tpu.yield
            }) : () -> ()
          } else {
          }
          %jit3A_200 = arith.constant 16 : i32
          %jit3A_201 = arith.constant 0 : i32
          %select_n3A_202 = arith.select %ne3A_196, %jit3A_200, %jit3A_201 : i32
          %add3A_203 = arith.addi %add3A_192, %select_n3A_202 : i32
          %and3A_204 = arith.constant 8 : i32
          %and3A_205 = arith.andi %sub3A_170, %and3A_204 : i32
          %ne3A_206 = arith.constant 0 : i32
          %ne3A_207 = arith.cmpi ne, %and3A_205, %ne3A_206 : i32
          %convert_element_type3A_208 = arith.extui %ne3A_207 : i1 to i32
          %cond3A_209 = arith.constant 0 : i32
          %cond3A_210 = arith.cmpi ne, %convert_element_type3A_208, %cond3A_209 : i32
          scf.if %cond3A_210 {
            %multiple_of3A = tpu.assume_multiple %add3A_203, 8 : i32
            "tpu.region"() ({
              %run_scoped3A = tpu.sem_alloc : memref<!tpu.dma_semaphore, #tpu.memory_space<semaphore_mem>>
              %dma_start3A_215 = arith.constant 0 : i32
              %dma_start3A_216 = tpu.memref_slice %arg11[%multiple_of3A, %dma_start3A_215] : memref<128x256xf32, #tpu.memory_space<vmem>> -> memref<8x256xf32, #tpu.memory_space<vmem>>
              %dma_start3A_217 = arith.constant 0 : i32
              %dma_start3A_218 = arith.constant 0 : i32
              %dma_start3A_219 = tpu.memref_slice %arg4[%dma_start3A_217, %dma_start3A_218] : memref<128x256xf32, #tpu.memory_space<hbm>> -> memref<8x256xf32, #tpu.memory_space<hbm>>
              %dma_start3A_220 = arith.constant 0 : i32
              %dma_start3A_221 = tpu.memref_slice %arg11[%multiple_of3A, %dma_start3A_220] : memref<128x256xf32, #tpu.memory_space<vmem>> -> memref<8x256xf32, #tpu.memory_space<vmem>>
              %dma_start3A_222 = arith.constant 0 : i32
              %dma_start3A_223 = arith.constant 0 : i32
              %dma_start3A_224 = tpu.memref_slice %arg4[%dma_start3A_222, %dma_start3A_223] : memref<128x256xf32, #tpu.memory_space<hbm>> -> memref<8x256xf32, #tpu.memory_space<hbm>>
              tpu.enqueue_dma source(%dma_start3A_224 : memref<8x256xf32, #tpu.memory_space<hbm>>) target(%dma_start3A_221 : memref<8x256xf32, #tpu.memory_space<vmem>>) target_semaphore(%run_scoped3A : memref<!tpu.dma_semaphore, #tpu.memory_space<semaphore_mem>>)
              %dma_wait3A_225 = arith.constant 0 : i32
              %dma_wait3A_226 = tpu.memref_slice %arg11[%multiple_of3A, %dma_wait3A_225] : memref<128x256xf32, #tpu.memory_space<vmem>> -> memref<8x256xf32, #tpu.memory_space<vmem>>
              %dma_wait3A_227 = arith.constant 0 : i32
              %dma_wait3A_228 = arith.constant 0 : i32
              %dma_wait3A_229 = tpu.memref_slice %arg4[%dma_wait3A_227, %dma_wait3A_228] : memref<128x256xf32, #tpu.memory_space<hbm>> -> memref<8x256xf32, #tpu.memory_space<hbm>>
              %dma_wait3A_230 = arith.constant 0 : i32
              %dma_wait3A_231 = tpu.memref_slice %arg11[%multiple_of3A, %dma_wait3A_230] : memref<128x256xf32, #tpu.memory_space<vmem>> -> memref<8x256xf32, #tpu.memory_space<vmem>>
              %dma_wait3A_232 = arith.constant 0 : i32
              %dma_wait3A_233 = arith.constant 0 : i32
              %dma_wait3A_234 = tpu.memref_slice %arg4[%dma_wait3A_232, %dma_wait3A_233] : memref<128x256xf32, #tpu.memory_space<hbm>> -> memref<8x256xf32, #tpu.memory_space<hbm>>
              tpu.wait_dma2 semaphore(%run_scoped3A : memref<!tpu.dma_semaphore, #tpu.memory_space<semaphore_mem>>) src(%dma_wait3A_234 : memref<8x256xf32, #tpu.memory_space<hbm>>) dst(%dma_wait3A_231 : memref<8x256xf32, #tpu.memory_space<vmem>>)
              tpu.yield
            }) : () -> ()
          } else {
          }
          %jit3A_211 = arith.constant 8 : i32
          %jit3A_212 = arith.constant 0 : i32
          %select_n3A_213 = arith.select %ne3A_207, %jit3A_211, %jit3A_212 : i32
          %add3A_214 = arith.addi %add3A_203, %select_n3A_213 : i32
        } else {
        }
        %mul3A_144 = arith.constant 128 : i32
        %mul3A_145 = arith.muli %mul3A_100, %mul3A_144 : i32
        %add3A_146 = arith.addi %mul3A_32, %mul3A_145 : i32
        %dma_start3A = arith.constant 0 : i32
        %dma_start3A_147 = tpu.memref_slice %arg5[%select_n3A, %add3A_146, %dma_start3A] : memref<16x2048x256xf32, #tpu.memory_space<hbm>> -> memref<1x128x256xf32, #tpu.memory_space<hbm>>
        %dma_start3A_148 = tpu.memref_squeeze %dma_start3A_147 : memref<1x128x256xf32, #tpu.memory_space<hbm>> -> memref<128x256xf32, #tpu.memory_space<hbm>>
        %dma_start3A_149 = arith.constant 0 : i32
        %dma_start3A_150 = tpu.memref_slice %arg5[%select_n3A, %add3A_146, %dma_start3A_149] : memref<16x2048x256xf32, #tpu.memory_space<hbm>> -> memref<1x128x256xf32, #tpu.memory_space<hbm>>
        %dma_start3A_151 = tpu.memref_squeeze %dma_start3A_150 : memref<1x128x256xf32, #tpu.memory_space<hbm>> -> memref<128x256xf32, #tpu.memory_space<hbm>>
        tpu.enqueue_dma source(%arg11 : memref<128x256xf32, #tpu.memory_space<vmem>>) target(%dma_start3A_151 : memref<128x256xf32, #tpu.memory_space<hbm>>) target_semaphore(%arg17 : memref<!tpu.dma_semaphore, #tpu.memory_space<semaphore_mem>>)
      } else {
      }
      %add3A_107 = arith.constant 2 : i32
      %add3A_108 = arith.addi %mul3A_100, %add3A_107 : i32
      %mul3A_109 = arith.constant 128 : i32
      %mul3A_110 = arith.muli %add3A_108, %mul3A_109 : i32
      %lt3A_111 = arith.cmpi slt, %mul3A_110, %min3A : i32
      %convert_element_type3A_112 = arith.extui %lt3A_111 : i1 to i32
      %cond3A_113 = arith.constant 0 : i32
      %cond3A_114 = arith.cmpi ne, %convert_element_type3A_112, %cond3A_113 : i32
      scf.if %cond3A_114 {
        %mul3A_131 = arith.constant 128 : i32
        %mul3A_132 = arith.muli %mul3A_100, %mul3A_131 : i32
        %add3A_133 = arith.addi %mul3A_32, %mul3A_132 : i32
        %dma_wait3A = arith.constant 0 : i32
        %dma_wait3A_134 = tpu.memref_slice %arg5[%select_n3A, %add3A_133, %dma_wait3A] : memref<16x2048x256xf32, #tpu.memory_space<hbm>> -> memref<1x128x256xf32, #tpu.memory_space<hbm>>
        %dma_wait3A_135 = tpu.memref_squeeze %dma_wait3A_134 : memref<1x128x256xf32, #tpu.memory_space<hbm>> -> memref<128x256xf32, #tpu.memory_space<hbm>>
        %dma_wait3A_136 = arith.constant 0 : i32
        %dma_wait3A_137 = tpu.memref_slice %arg5[%select_n3A, %add3A_133, %dma_wait3A_136] : memref<16x2048x256xf32, #tpu.memory_space<hbm>> -> memref<1x128x256xf32, #tpu.memory_space<hbm>>
        %dma_wait3A_138 = tpu.memref_squeeze %dma_wait3A_137 : memref<1x128x256xf32, #tpu.memory_space<hbm>> -> memref<128x256xf32, #tpu.memory_space<hbm>>
        tpu.wait_dma2 semaphore(%arg17 : memref<!tpu.dma_semaphore, #tpu.memory_space<semaphore_mem>>) src(%arg11 : memref<128x256xf32, #tpu.memory_space<vmem>>) dst(%dma_wait3A_138 : memref<128x256xf32, #tpu.memory_space<hbm>>)
        %add3A_139 = arith.constant 2 : i32
        %add3A_140 = arith.addi %mul3A_100, %add3A_139 : i32
        %mul3A_141 = arith.constant 128 : i32
        %mul3A_142 = arith.muli %add3A_140, %mul3A_141 : i32
        %dma_start3A = tpu.memref_slice %arg9[%mul3A_142] : memref<1024xi32, #tpu.memory_space<vmem>> -> memref<128xi32, #tpu.memory_space<vmem>>
        %dma_start3A_143 = arith.constant 0 : i32
        %dma_start3A_144 = arith.constant 0 : i32
        %dma_start3A_145 = tpu.memref_slice %arg2[%dma_start3A_143, %dma_start3A_144] : memref<8192x256xf32, #tpu.memory_space<hbm>> -> memref<8192x256xf32, #tpu.memory_space<hbm>>
        tpu.enqueue_indirect_dma source(%dma_start3A_145 : memref<8192x256xf32, #tpu.memory_space<hbm>>) target(%arg11 : memref<128x256xf32, #tpu.memory_space<vmem>>) offsets(%dma_start3A : memref<128xi32, #tpu.memory_space<vmem>>) semaphore(%arg14 : memref<!tpu.dma_semaphore, #tpu.memory_space<semaphore_mem>>)
      } else {
      }
      %add3A_115 = arith.constant 1 : i32
      %add3A_116 = arith.addi %mul3A_100, %add3A_115 : i32
      %mul3A_117 = arith.constant 128 : i32
      %mul3A_118 = arith.muli %add3A_116, %mul3A_117 : i32
      %lt3A_119 = arith.cmpi slt, %mul3A_118, %min3A : i32
      %convert_element_type3A_120 = arith.extui %lt3A_119 : i1 to i32
      %cond3A_121 = arith.constant 0 : i32
      %cond3A_122 = arith.cmpi ne, %convert_element_type3A_120, %cond3A_121 : i32
      scf.if %cond3A_122 {
        %mul3A_131 = arith.constant 128 : i32
        %mul3A_132 = arith.muli %add3A_116, %mul3A_131 : i32
        %dma_wait3A = tpu.memref_slice %arg9[%mul3A_132] : memref<1024xi32, #tpu.memory_space<vmem>> -> memref<128xi32, #tpu.memory_space<vmem>>
        %dma_wait3A_133 = arith.constant 0 : i32
        %dma_wait3A_134 = arith.constant 0 : i32
        %dma_wait3A_135 = tpu.memref_slice %arg2[%dma_wait3A_133, %dma_wait3A_134] : memref<8192x256xf32, #tpu.memory_space<hbm>> -> memref<8192x256xf32, #tpu.memory_space<hbm>>
        tpu.wait_indirect_dma semaphore(%arg15 : memref<!tpu.dma_semaphore, #tpu.memory_space<semaphore_mem>>) src(%dma_wait3A_135 : memref<8192x256xf32, #tpu.memory_space<hbm>>) dst(%arg12 : memref<128x256xf32, #tpu.memory_space<vmem>>)
        %add3A_136 = arith.constant 1 : i32
        %add3A_137 = arith.addi %add3A_116, %add3A_136 : i32
        %mul3A_138 = arith.constant 128 : i32
        %mul3A_139 = arith.muli %add3A_137, %mul3A_138 : i32
        %lt3A_140 = arith.cmpi slt, %min3A, %mul3A_139 : i32
        %convert_element_type3A_141 = arith.extui %lt3A_140 : i1 to i32
        %cond3A_142 = arith.constant 0 : i32
        %cond3A_143 = arith.cmpi ne, %convert_element_type3A_141, %cond3A_142 : i32
        scf.if %cond3A_143 {
          %mul3A_152 = arith.constant 128 : i32
          %mul3A_153 = arith.muli %add3A_116, %mul3A_152 : i32
          %sub3A_154 = arith.subi %min3A, %mul3A_153 : i32
          %add3A_155 = arith.constant 7 : i32
          %add3A_156 = arith.addi %sub3A_154, %add3A_155 : i32
          %shift_right_arithmetic3A = arith.constant 3 : i32
          %shift_right_arithmetic3A_157 = arith.shrsi %add3A_156, %shift_right_arithmetic3A : i32
          %shift_left3A = arith.constant 3 : i32
          %shift_left3A_158 = arith.shli %shift_right_arithmetic3A_157, %shift_left3A : i32
          %min3A_159 = arith.constant 128 : i32
          %min3A_160 = arith.minsi %shift_left3A_158, %min3A_159 : i32
          %while3A = arith.constant 0 : i32
          %while3A_161 = arith.subi %min3A_160, %sub3A_154 : i32
          %while3A_162 = arith.addi %sub3A_154, %while3A_161 : i32
          %while3A_163 = arith.constant 1 : i32
          %while3A_164 = arith.divsi %while3A_161, %while3A_163 : i32
          %while3A_165 = arith.muli %while3A_164, %while3A_163 : i32
          %while3A_166 = arith.addi %sub3A_154, %while3A_165 : i32
          %while3A_167 = arith.constant 1 : i32
          scf.for %while3A_215 = %sub3A_154 to %while3A_166 step %while3A_167  : i32 {
            %swap3A = arith.index_cast %while3A_215 : i32 to index
            %swap3A_216 = arith.constant 0 : index
            %swap3A_217 = tpu.vector_load %arg12[%swap3A, %swap3A_216] {strides = array<i32>} : memref<128x256xf32, #tpu.memory_space<vmem>>, vector<16xf32>,
            tpu.vector_store %arg12[%swap3A, %swap3A_216], %broadcast_in_dim3A_35 {strides = array<i32>} : memref<128x256xf32, #tpu.memory_space<vmem>>, vector<16xf32>,
            %swap3A_218 = arith.index_cast %while3A_215 : i32 to index
            %swap3A_219 = arith.constant 16 : index
            %swap3A_220 = tpu.vector_load %arg12[%swap3A_218, %swap3A_219] {strides = array<i32>} : memref<128x256xf32, #tpu.memory_space<vmem>>, vector<16xf32>,
            tpu.vector_store %arg12[%swap3A_218, %swap3A_219], %broadcast_in_dim3A_35 {strides = array<i32>} : memref<128x256xf32, #tpu.memory_space<vmem>>, vector<16xf32>,
            %swap3A_221 = arith.index_cast %while3A_215 : i32 to index
            %swap3A_222 = arith.constant 32 : index
            %swap3A_223 = tpu.vector_load %arg12[%swap3A_221, %swap3A_222] {strides = array<i32>} : memref<128x256xf32, #tpu.memory_space<vmem>>, vector<16xf32>,
            tpu.vector_store %arg12[%swap3A_221, %swap3A_222], %broadcast_in_dim3A_35 {strides = array<i32>} : memref<128x256xf32, #tpu.memory_space<vmem>>, vector<16xf32>,
            %swap3A_224 = arith.index_cast %while3A_215 : i32 to index
            %swap3A_225 = arith.constant 48 : index
            %swap3A_226 = tpu.vector_load %arg12[%swap3A_224, %swap3A_225] {strides = array<i32>} : memref<128x256xf32, #tpu.memory_space<vmem>>, vector<16xf32>,
            tpu.vector_store %arg12[%swap3A_224, %swap3A_225], %broadcast_in_dim3A_35 {strides = array<i32>} : memref<128x256xf32, #tpu.memory_space<vmem>>, vector<16xf32>,
            %swap3A_227 = arith.index_cast %while3A_215 : i32 to index
            %swap3A_228 = arith.constant 64 : index
            %swap3A_229 = tpu.vector_load %arg12[%swap3A_227, %swap3A_228] {strides = array<i32>} : memref<128x256xf32, #tpu.memory_space<vmem>>, vector<16xf32>,
            tpu.vector_store %arg12[%swap3A_227, %swap3A_228], %broadcast_in_dim3A_35 {strides = array<i32>} : memref<128x256xf32, #tpu.memory_space<vmem>>, vector<16xf32>,
            %swap3A_230 = arith.index_cast %while3A_215 : i32 to index
            %swap3A_231 = arith.constant 80 : index
            %swap3A_232 = tpu.vector_load %arg12[%swap3A_230, %swap3A_231] {strides = array<i32>} : memref<128x256xf32, #tpu.memory_space<vmem>>, vector<16xf32>,
            tpu.vector_store %arg12[%swap3A_230, %swap3A_231], %broadcast_in_dim3A_35 {strides = array<i32>} : memref<128x256xf32, #tpu.memory_space<vmem>>, vector<16xf32>,
            %swap3A_233 = arith.index_cast %while3A_215 : i32 to index
            %swap3A_234 = arith.constant 96 : index
            %swap3A_235 = tpu.vector_load %arg12[%swap3A_233, %swap3A_234] {strides = array<i32>} : memref<128x256xf32, #tpu.memory_space<vmem>>, vector<16xf32>,
            tpu.vector_store %arg12[%swap3A_233, %swap3A_234], %broadcast_in_dim3A_35 {strides = array<i32>} : memref<128x256xf32, #tpu.memory_space<vmem>>, vector<16xf32>,
            %swap3A_236 = arith.index_cast %while3A_215 : i32 to index
            %swap3A_237 = arith.constant 112 : index
            %swap3A_238 = tpu.vector_load %arg12[%swap3A_236, %swap3A_237] {strides = array<i32>} : memref<128x256xf32, #tpu.memory_space<vmem>>, vector<16xf32>,
            tpu.vector_store %arg12[%swap3A_236, %swap3A_237], %broadcast_in_dim3A_35 {strides = array<i32>} : memref<128x256xf32, #tpu.memory_space<vmem>>, vector<16xf32>,
            %swap3A_239 = arith.index_cast %while3A_215 : i32 to index
            %swap3A_240 = arith.constant 128 : index
            %swap3A_241 = tpu.vector_load %arg12[%swap3A_239, %swap3A_240] {strides = array<i32>} : memref<128x256xf32, #tpu.memory_space<vmem>>, vector<16xf32>,
            tpu.vector_store %arg12[%swap3A_239, %swap3A_240], %broadcast_in_dim3A_35 {strides = array<i32>} : memref<128x256xf32, #tpu.memory_space<vmem>>, vector<16xf32>,
            %swap3A_242 = arith.index_cast %while3A_215 : i32 to index
            %swap3A_243 = arith.constant 144 : index
            %swap3A_244 = tpu.vector_load %arg12[%swap3A_242, %swap3A_243] {strides = array<i32>} : memref<128x256xf32, #tpu.memory_space<vmem>>, vector<16xf32>,
            tpu.vector_store %arg12[%swap3A_242, %swap3A_243], %broadcast_in_dim3A_35 {strides = array<i32>} : memref<128x256xf32, #tpu.memory_space<vmem>>, vector<16xf32>,
            %swap3A_245 = arith.index_cast %while3A_215 : i32 to index
            %swap3A_246 = arith.constant 160 : index
            %swap3A_247 = tpu.vector_load %arg12[%swap3A_245, %swap3A_246] {strides = array<i32>} : memref<128x256xf32, #tpu.memory_space<vmem>>, vector<16xf32>,
            tpu.vector_store %arg12[%swap3A_245, %swap3A_246], %broadcast_in_dim3A_35 {strides = array<i32>} : memref<128x256xf32, #tpu.memory_space<vmem>>, vector<16xf32>,
            %swap3A_248 = arith.index_cast %while3A_215 : i32 to index
            %swap3A_249 = arith.constant 176 : index
            %swap3A_250 = tpu.vector_load %arg12[%swap3A_248, %swap3A_249] {strides = array<i32>} : memref<128x256xf32, #tpu.memory_space<vmem>>, vector<16xf32>,
            tpu.vector_store %arg12[%swap3A_248, %swap3A_249], %broadcast_in_dim3A_35 {strides = array<i32>} : memref<128x256xf32, #tpu.memory_space<vmem>>, vector<16xf32>,
            %swap3A_251 = arith.index_cast %while3A_215 : i32 to index
            %swap3A_252 = arith.constant 192 : index
            %swap3A_253 = tpu.vector_load %arg12[%swap3A_251, %swap3A_252] {strides = array<i32>} : memref<128x256xf32, #tpu.memory_space<vmem>>, vector<16xf32>,
            tpu.vector_store %arg12[%swap3A_251, %swap3A_252], %broadcast_in_dim3A_35 {strides = array<i32>} : memref<128x256xf32, #tpu.memory_space<vmem>>, vector<16xf32>,
            %swap3A_254 = arith.index_cast %while3A_215 : i32 to index
            %swap3A_255 = arith.constant 208 : index
            %swap3A_256 = tpu.vector_load %arg12[%swap3A_254, %swap3A_255] {strides = array<i32>} : memref<128x256xf32, #tpu.memory_space<vmem>>, vector<16xf32>,
            tpu.vector_store %arg12[%swap3A_254, %swap3A_255], %broadcast_in_dim3A_35 {strides = array<i32>} : memref<128x256xf32, #tpu.memory_space<vmem>>, vector<16xf32>,
            %swap3A_257 = arith.index_cast %while3A_215 : i32 to index
            %swap3A_258 = arith.constant 224 : index
            %swap3A_259 = tpu.vector_load %arg12[%swap3A_257, %swap3A_258] {strides = array<i32>} : memref<128x256xf32, #tpu.memory_space<vmem>>, vector<16xf32>,
            tpu.vector_store %arg12[%swap3A_257, %swap3A_258], %broadcast_in_dim3A_35 {strides = array<i32>} : memref<128x256xf32, #tpu.memory_space<vmem>>, vector<16xf32>,
            %swap3A_260 = arith.index_cast %while3A_215 : i32 to index
            %swap3A_261 = arith.constant 240 : index
            %swap3A_262 = tpu.vector_load %arg12[%swap3A_260, %swap3A_261] {strides = array<i32>} : memref<128x256xf32, #tpu.memory_space<vmem>>, vector<16xf32>,
            tpu.vector_store %arg12[%swap3A_260, %swap3A_261], %broadcast_in_dim3A_35 {strides = array<i32>} : memref<128x256xf32, #tpu.memory_space<vmem>>, vector<16xf32>,
          }
          %while3A_168 = arith.constant 1 : i32
          scf.for %while3A_215 = %while3A_166 to %while3A_162 step %while3A_168  : i32 {
            %swap3A = arith.index_cast %while3A_215 : i32 to index
            %swap3A_216 = arith.constant 0 : index
            %swap3A_217 = tpu.vector_load %arg12[%swap3A, %swap3A_216] {strides = array<i32>} : memref<128x256xf32, #tpu.memory_space<vmem>>, vector<16xf32>,
            tpu.vector_store %arg12[%swap3A, %swap3A_216], %broadcast_in_dim3A_35 {strides = array<i32>} : memref<128x256xf32, #tpu.memory_space<vmem>>, vector<16xf32>,
            %swap3A_218 = arith.index_cast %while3A_215 : i32 to index
            %swap3A_219 = arith.constant 16 : index
            %swap3A_220 = tpu.vector_load %arg12[%swap3A_218, %swap3A_219] {strides = array<i32>} : memref<128x256xf32, #tpu.memory_space<vmem>>, vector<16xf32>,
            tpu.vector_store %arg12[%swap3A_218, %swap3A_219], %broadcast_in_dim3A_35 {strides = array<i32>} : memref<128x256xf32, #tpu.memory_space<vmem>>, vector<16xf32>,
            %swap3A_221 = arith.index_cast %while3A_215 : i32 to index
            %swap3A_222 = arith.constant 32 : index
            %swap3A_223 = tpu.vector_load %arg12[%swap3A_221, %swap3A_222] {strides = array<i32>} : memref<128x256xf32, #tpu.memory_space<vmem>>, vector<16xf32>,
            tpu.vector_store %arg12[%swap3A_221, %swap3A_222], %broadcast_in_dim3A_35 {strides = array<i32>} : memref<128x256xf32, #tpu.memory_space<vmem>>, vector<16xf32>,
            %swap3A_224 = arith.index_cast %while3A_215 : i32 to index
            %swap3A_225 = arith.constant 48 : index
            %swap3A_226 = tpu.vector_load %arg12[%swap3A_224, %swap3A_225] {strides = array<i32>} : memref<128x256xf32, #tpu.memory_space<vmem>>, vector<16xf32>,
            tpu.vector_store %arg12[%swap3A_224, %swap3A_225], %broadcast_in_dim3A_35 {strides = array<i32>} : memref<128x256xf32, #tpu.memory_space<vmem>>, vector<16xf32>,
            %swap3A_227 = arith.index_cast %while3A_215 : i32 to index
            %swap3A_228 = arith.constant 64 : index
            %swap3A_229 = tpu.vector_load %arg12[%swap3A_227, %swap3A_228] {strides = array<i32>} : memref<128x256xf32, #tpu.memory_space<vmem>>, vector<16xf32>,
            tpu.vector_store %arg12[%swap3A_227, %swap3A_228], %broadcast_in_dim3A_35 {strides = array<i32>} : memref<128x256xf32, #tpu.memory_space<vmem>>, vector<16xf32>,
            %swap3A_230 = arith.index_cast %while3A_215 : i32 to index
            %swap3A_231 = arith.constant 80 : index
            %swap3A_232 = tpu.vector_load %arg12[%swap3A_230, %swap3A_231] {strides = array<i32>} : memref<128x256xf32, #tpu.memory_space<vmem>>, vector<16xf32>,
            tpu.vector_store %arg12[%swap3A_230, %swap3A_231], %broadcast_in_dim3A_35 {strides = array<i32>} : memref<128x256xf32, #tpu.memory_space<vmem>>, vector<16xf32>,
            %swap3A_233 = arith.index_cast %while3A_215 : i32 to index
            %swap3A_234 = arith.constant 96 : index
            %swap3A_235 = tpu.vector_load %arg12[%swap3A_233, %swap3A_234] {strides = array<i32>} : memref<128x256xf32, #tpu.memory_space<vmem>>, vector<16xf32>,
            tpu.vector_store %arg12[%swap3A_233, %swap3A_234], %broadcast_in_dim3A_35 {strides = array<i32>} : memref<128x256xf32, #tpu.memory_space<vmem>>, vector<16xf32>,
            %swap3A_236 = arith.index_cast %while3A_215 : i32 to index
            %swap3A_237 = arith.constant 112 : index
            %swap3A_238 = tpu.vector_load %arg12[%swap3A_236, %swap3A_237] {strides = array<i32>} : memref<128x256xf32, #tpu.memory_space<vmem>>, vector<16xf32>,
            tpu.vector_store %arg12[%swap3A_236, %swap3A_237], %broadcast_in_dim3A_35 {strides = array<i32>} : memref<128x256xf32, #tpu.memory_space<vmem>>, vector<16xf32>,
            %swap3A_239 = arith.index_cast %while3A_215 : i32 to index
            %swap3A_240 = arith.constant 128 : index
            %swap3A_241 = tpu.vector_load %arg12[%swap3A_239, %swap3A_240] {strides = array<i32>} : memref<128x256xf32, #tpu.memory_space<vmem>>, vector<16xf32>,
            tpu.vector_store %arg12[%swap3A_239, %swap3A_240], %broadcast_in_dim3A_35 {strides = array<i32>} : memref<128x256xf32, #tpu.memory_space<vmem>>, vector<16xf32>,
            %swap3A_242 = arith.index_cast %while3A_215 : i32 to index
            %swap3A_243 = arith.constant 144 : index
            %swap3A_244 = tpu.vector_load %arg12[%swap3A_242, %swap3A_243] {strides = array<i32>} : memref<128x256xf32, #tpu.memory_space<vmem>>, vector<16xf32>,
            tpu.vector_store %arg12[%swap3A_242, %swap3A_243], %broadcast_in_dim3A_35 {strides = array<i32>} : memref<128x256xf32, #tpu.memory_space<vmem>>, vector<16xf32>,
            %swap3A_245 = arith.index_cast %while3A_215 : i32 to index
            %swap3A_246 = arith.constant 160 : index
            %swap3A_247 = tpu.vector_load %arg12[%swap3A_245, %swap3A_246] {strides = array<i32>} : memref<128x256xf32, #tpu.memory_space<vmem>>, vector<16xf32>,
            tpu.vector_store %arg12[%swap3A_245, %swap3A_246], %broadcast_in_dim3A_35 {strides = array<i32>} : memref<128x256xf32, #tpu.memory_space<vmem>>, vector<16xf32>,
            %swap3A_248 = arith.index_cast %while3A_215 : i32 to index
            %swap3A_249 = arith.constant 176 : index
            %swap3A_250 = tpu.vector_load %arg12[%swap3A_248, %swap3A_249] {strides = array<i32>} : memref<128x256xf32, #tpu.memory_space<vmem>>, vector<16xf32>,
            tpu.vector_store %arg12[%swap3A_248, %swap3A_249], %broadcast_in_dim3A_35 {strides = array<i32>} : memref<128x256xf32, #tpu.memory_space<vmem>>, vector<16xf32>,
            %swap3A_251 = arith.index_cast %while3A_215 : i32 to index
            %swap3A_252 = arith.constant 192 : index
            %swap3A_253 = tpu.vector_load %arg12[%swap3A_251, %swap3A_252] {strides = array<i32>} : memref<128x256xf32, #tpu.memory_space<vmem>>, vector<16xf32>,
            tpu.vector_store %arg12[%swap3A_251, %swap3A_252], %broadcast_in_dim3A_35 {strides = array<i32>} : memref<128x256xf32, #tpu.memory_space<vmem>>, vector<16xf32>,
            %swap3A_254 = arith.index_cast %while3A_215 : i32 to index
            %swap3A_255 = arith.constant 208 : index
            %swap3A_256 = tpu.vector_load %arg12[%swap3A_254, %swap3A_255] {strides = array<i32>} : memref<128x256xf32, #tpu.memory_space<vmem>>, vector<16xf32>,
            tpu.vector_store %arg12[%swap3A_254, %swap3A_255], %broadcast_in_dim3A_35 {strides = array<i32>} : memref<128x256xf32, #tpu.memory_space<vmem>>, vector<16xf32>,
            %swap3A_257 = arith.index_cast %while3A_215 : i32 to index
            %swap3A_258 = arith.constant 224 : index
            %swap3A_259 = tpu.vector_load %arg12[%swap3A_257, %swap3A_258] {strides = array<i32>} : memref<128x256xf32, #tpu.memory_space<vmem>>, vector<16xf32>,
            tpu.vector_store %arg12[%swap3A_257, %swap3A_258], %broadcast_in_dim3A_35 {strides = array<i32>} : memref<128x256xf32, #tpu.memory_space<vmem>>, vector<16xf32>,
            %swap3A_260 = arith.index_cast %while3A_215 : i32 to index
            %swap3A_261 = arith.constant 240 : index
            %swap3A_262 = tpu.vector_load %arg12[%swap3A_260, %swap3A_261] {strides = array<i32>} : memref<128x256xf32, #tpu.memory_space<vmem>>, vector<16xf32>,
            tpu.vector_store %arg12[%swap3A_260, %swap3A_261], %broadcast_in_dim3A_35 {strides = array<i32>} : memref<128x256xf32, #tpu.memory_space<vmem>>, vector<16xf32>,
          }
          %sub3A_169 = arith.constant 128 : i32
          %sub3A_170 = arith.subi %sub3A_169, %min3A_160 : i32
          %and3A_171 = arith.constant 64 : i32
          %and3A_172 = arith.andi %sub3A_170, %and3A_171 : i32
          %ne3A_173 = arith.constant 0 : i32
          %ne3A_174 = arith.cmpi ne, %and3A_172, %ne3A_173 : i32
          %convert_element_type3A_175 = arith.extui %ne3A_174 : i1 to i32
          %cond3A_176 = arith.constant 0 : i32
          %cond3A_177 = arith.cmpi ne, %convert_element_type3A_175, %cond3A_176 : i32
          scf.if %cond3A_177 {
            %multiple_of3A = tpu.assume_multiple %min3A_160, 8 : i32
            "tpu.region"() ({
              %run_scoped3A = tpu.sem_alloc : memref<!tpu.dma_semaphore, #tpu.memory_space<semaphore_mem>>
              %dma_start3A_215 = arith.constant 0 : i32
              %dma_start3A_216 = tpu.memref_slice %arg12[%multiple_of3A, %dma_start3A_215] : memref<128x256xf32, #tpu.memory_space<vmem>> -> memref<64x256xf32, #tpu.memory_space<vmem>>
              %dma_start3A_217 = arith.constant 0 : i32
              %dma_start3A_218 = arith.constant 0 : i32
              %dma_start3A_219 = tpu.memref_slice %arg4[%dma_start3A_217, %dma_start3A_218] : memref<128x256xf32, #tpu.memory_space<hbm>> -> memref<64x256xf32, #tpu.memory_space<hbm>>
              %dma_start3A_220 = arith.constant 0 : i32
              %dma_start3A_221 = tpu.memref_slice %arg12[%multiple_of3A, %dma_start3A_220] : memref<128x256xf32, #tpu.memory_space<vmem>> -> memref<64x256xf32, #tpu.memory_space<vmem>>
              %dma_start3A_222 = arith.constant 0 : i32
              %dma_start3A_223 = arith.constant 0 : i32
              %dma_start3A_224 = tpu.memref_slice %arg4[%dma_start3A_222, %dma_start3A_223] : memref<128x256xf32, #tpu.memory_space<hbm>> -> memref<64x256xf32, #tpu.memory_space<hbm>>
              tpu.enqueue_dma source(%dma_start3A_224 : memref<64x256xf32, #tpu.memory_space<hbm>>) target(%dma_start3A_221 : memref<64x256xf32, #tpu.memory_space<vmem>>) target_semaphore(%run_scoped3A : memref<!tpu.dma_semaphore, #tpu.memory_space<semaphore_mem>>)
              %dma_wait3A_225 = arith.constant 0 : i32
              %dma_wait3A_226 = tpu.memref_slice %arg12[%multiple_of3A, %dma_wait3A_225] : memref<128x256xf32, #tpu.memory_space<vmem>> -> memref<64x256xf32, #tpu.memory_space<vmem>>
              %dma_wait3A_227 = arith.constant 0 : i32
              %dma_wait3A_228 = arith.constant 0 : i32
              %dma_wait3A_229 = tpu.memref_slice %arg4[%dma_wait3A_227, %dma_wait3A_228] : memref<128x256xf32, #tpu.memory_space<hbm>> -> memref<64x256xf32, #tpu.memory_space<hbm>>
              %dma_wait3A_230 = arith.constant 0 : i32
              %dma_wait3A_231 = tpu.memref_slice %arg12[%multiple_of3A, %dma_wait3A_230] : memref<128x256xf32, #tpu.memory_space<vmem>> -> memref<64x256xf32, #tpu.memory_space<vmem>>
              %dma_wait3A_232 = arith.constant 0 : i32
              %dma_wait3A_233 = arith.constant 0 : i32
              %dma_wait3A_234 = tpu.memref_slice %arg4[%dma_wait3A_232, %dma_wait3A_233] : memref<128x256xf32, #tpu.memory_space<hbm>> -> memref<64x256xf32, #tpu.memory_space<hbm>>
              tpu.wait_dma2 semaphore(%run_scoped3A : memref<!tpu.dma_semaphore, #tpu.memory_space<semaphore_mem>>) src(%dma_wait3A_234 : memref<64x256xf32, #tpu.memory_space<hbm>>) dst(%dma_wait3A_231 : memref<64x256xf32, #tpu.memory_space<vmem>>)
              tpu.yield
            }) : () -> ()
          } else {
          }
          %jit3A_178 = arith.constant 64 : i32
          %jit3A_179 = arith.constant 0 : i32
          %select_n3A_180 = arith.select %ne3A_174, %jit3A_178, %jit3A_179 : i32
          %add3A_181 = arith.addi %min3A_160, %select_n3A_180 : i32
          %and3A_182 = arith.constant 32 : i32
          %and3A_183 = arith.andi %sub3A_170, %and3A_182 : i32
          %ne3A_184 = arith.constant 0 : i32
          %ne3A_185 = arith.cmpi ne, %and3A_183, %ne3A_184 : i32
          %convert_element_type3A_186 = arith.extui %ne3A_185 : i1 to i32
          %cond3A_187 = arith.constant 0 : i32
          %cond3A_188 = arith.cmpi ne, %convert_element_type3A_186, %cond3A_187 : i32
          scf.if %cond3A_188 {
            %multiple_of3A = tpu.assume_multiple %add3A_181, 8 : i32
            "tpu.region"() ({
              %run_scoped3A = tpu.sem_alloc : memref<!tpu.dma_semaphore, #tpu.memory_space<semaphore_mem>>
              %dma_start3A_215 = arith.constant 0 : i32
              %dma_start3A_216 = tpu.memref_slice %arg12[%multiple_of3A, %dma_start3A_215] : memref<128x256xf32, #tpu.memory_space<vmem>> -> memref<32x256xf32, #tpu.memory_space<vmem>>
              %dma_start3A_217 = arith.constant 0 : i32
              %dma_start3A_218 = arith.constant 0 : i32
              %dma_start3A_219 = tpu.memref_slice %arg4[%dma_start3A_217, %dma_start3A_218] : memref<128x256xf32, #tpu.memory_space<hbm>> -> memref<32x256xf32, #tpu.memory_space<hbm>>
              %dma_start3A_220 = arith.constant 0 : i32
              %dma_start3A_221 = tpu.memref_slice %arg12[%multiple_of3A, %dma_start3A_220] : memref<128x256xf32, #tpu.memory_space<vmem>> -> memref<32x256xf32, #tpu.memory_space<vmem>>
              %dma_start3A_222 = arith.constant 0 : i32
              %dma_start3A_223 = arith.constant 0 : i32
              %dma_start3A_224 = tpu.memref_slice %arg4[%dma_start3A_222, %dma_start3A_223] : memref<128x256xf32, #tpu.memory_space<hbm>> -> memref<32x256xf32, #tpu.memory_space<hbm>>
              tpu.enqueue_dma source(%dma_start3A_224 : memref<32x256xf32, #tpu.memory_space<hbm>>) target(%dma_start3A_221 : memref<32x256xf32, #tpu.memory_space<vmem>>) target_semaphore(%run_scoped3A : memref<!tpu.dma_semaphore, #tpu.memory_space<semaphore_mem>>)
              %dma_wait3A_225 = arith.constant 0 : i32
              %dma_wait3A_226 = tpu.memref_slice %arg12[%multiple_of3A, %dma_wait3A_225] : memref<128x256xf32, #tpu.memory_space<vmem>> -> memref<32x256xf32, #tpu.memory_space<vmem>>
              %dma_wait3A_227 = arith.constant 0 : i32
              %dma_wait3A_228 = arith.constant 0 : i32
              %dma_wait3A_229 = tpu.memref_slice %arg4[%dma_wait3A_227, %dma_wait3A_228] : memref<128x256xf32, #tpu.memory_space<hbm>> -> memref<32x256xf32, #tpu.memory_space<hbm>>
              %dma_wait3A_230 = arith.constant 0 : i32
              %dma_wait3A_231 = tpu.memref_slice %arg12[%multiple_of3A, %dma_wait3A_230] : memref<128x256xf32, #tpu.memory_space<vmem>> -> memref<32x256xf32, #tpu.memory_space<vmem>>
              %dma_wait3A_232 = arith.constant 0 : i32
              %dma_wait3A_233 = arith.constant 0 : i32
              %dma_wait3A_234 = tpu.memref_slice %arg4[%dma_wait3A_232, %dma_wait3A_233] : memref<128x256xf32, #tpu.memory_space<hbm>> -> memref<32x256xf32, #tpu.memory_space<hbm>>
              tpu.wait_dma2 semaphore(%run_scoped3A : memref<!tpu.dma_semaphore, #tpu.memory_space<semaphore_mem>>) src(%dma_wait3A_234 : memref<32x256xf32, #tpu.memory_space<hbm>>) dst(%dma_wait3A_231 : memref<32x256xf32, #tpu.memory_space<vmem>>)
              tpu.yield
            }) : () -> ()
          } else {
          }
          %jit3A_189 = arith.constant 32 : i32
          %jit3A_190 = arith.constant 0 : i32
          %select_n3A_191 = arith.select %ne3A_185, %jit3A_189, %jit3A_190 : i32
          %add3A_192 = arith.addi %add3A_181, %select_n3A_191 : i32
          %and3A_193 = arith.constant 16 : i32
          %and3A_194 = arith.andi %sub3A_170, %and3A_193 : i32
          %ne3A_195 = arith.constant 0 : i32
          %ne3A_196 = arith.cmpi ne, %and3A_194, %ne3A_195 : i32
          %convert_element_type3A_197 = arith.extui %ne3A_196 : i1 to i32
          %cond3A_198 = arith.constant 0 : i32
          %cond3A_199 = arith.cmpi ne, %convert_element_type3A_197, %cond3A_198 : i32
          scf.if %cond3A_199 {
            %multiple_of3A = tpu.assume_multiple %add3A_192, 8 : i32
            "tpu.region"() ({
              %run_scoped3A = tpu.sem_alloc : memref<!tpu.dma_semaphore, #tpu.memory_space<semaphore_mem>>
              %dma_start3A_215 = arith.constant 0 : i32
              %dma_start3A_216 = tpu.memref_slice %arg12[%multiple_of3A, %dma_start3A_215] : memref<128x256xf32, #tpu.memory_space<vmem>> -> memref<16x256xf32, #tpu.memory_space<vmem>>
              %dma_start3A_217 = arith.constant 0 : i32
              %dma_start3A_218 = arith.constant 0 : i32
              %dma_start3A_219 = tpu.memref_slice %arg4[%dma_start3A_217, %dma_start3A_218] : memref<128x256xf32, #tpu.memory_space<hbm>> -> memref<16x256xf32, #tpu.memory_space<hbm>>
              %dma_start3A_220 = arith.constant 0 : i32
              %dma_start3A_221 = tpu.memref_slice %arg12[%multiple_of3A, %dma_start3A_220] : memref<128x256xf32, #tpu.memory_space<vmem>> -> memref<16x256xf32, #tpu.memory_space<vmem>>
              %dma_start3A_222 = arith.constant 0 : i32
              %dma_start3A_223 = arith.constant 0 : i32
              %dma_start3A_224 = tpu.memref_slice %arg4[%dma_start3A_222, %dma_start3A_223] : memref<128x256xf32, #tpu.memory_space<hbm>> -> memref<16x256xf32, #tpu.memory_space<hbm>>
              tpu.enqueue_dma source(%dma_start3A_224 : memref<16x256xf32, #tpu.memory_space<hbm>>) target(%dma_start3A_221 : memref<16x256xf32, #tpu.memory_space<vmem>>) target_semaphore(%run_scoped3A : memref<!tpu.dma_semaphore, #tpu.memory_space<semaphore_mem>>)
              %dma_wait3A_225 = arith.constant 0 : i32
              %dma_wait3A_226 = tpu.memref_slice %arg12[%multiple_of3A, %dma_wait3A_225] : memref<128x256xf32, #tpu.memory_space<vmem>> -> memref<16x256xf32, #tpu.memory_space<vmem>>
              %dma_wait3A_227 = arith.constant 0 : i32
              %dma_wait3A_228 = arith.constant 0 : i32
              %dma_wait3A_229 = tpu.memref_slice %arg4[%dma_wait3A_227, %dma_wait3A_228] : memref<128x256xf32, #tpu.memory_space<hbm>> -> memref<16x256xf32, #tpu.memory_space<hbm>>
              %dma_wait3A_230 = arith.constant 0 : i32
              %dma_wait3A_231 = tpu.memref_slice %arg12[%multiple_of3A, %dma_wait3A_230] : memref<128x256xf32, #tpu.memory_space<vmem>> -> memref<16x256xf32, #tpu.memory_space<vmem>>
              %dma_wait3A_232 = arith.constant 0 : i32
              %dma_wait3A_233 = arith.constant 0 : i32
              %dma_wait3A_234 = tpu.memref_slice %arg4[%dma_wait3A_232, %dma_wait3A_233] : memref<128x256xf32, #tpu.memory_space<hbm>> -> memref<16x256xf32, #tpu.memory_space<hbm>>
              tpu.wait_dma2 semaphore(%run_scoped3A : memref<!tpu.dma_semaphore, #tpu.memory_space<semaphore_mem>>) src(%dma_wait3A_234 : memref<16x256xf32, #tpu.memory_space<hbm>>) dst(%dma_wait3A_231 : memref<16x256xf32, #tpu.memory_space<vmem>>)
              tpu.yield
            }) : () -> ()
          } else {
          }
          %jit3A_200 = arith.constant 16 : i32
          %jit3A_201 = arith.constant 0 : i32
          %select_n3A_202 = arith.select %ne3A_196, %jit3A_200, %jit3A_201 : i32
          %add3A_203 = arith.addi %add3A_192, %select_n3A_202 : i32
          %and3A_204 = arith.constant 8 : i32
          %and3A_205 = arith.andi %sub3A_170, %and3A_204 : i32
          %ne3A_206 = arith.constant 0 : i32
          %ne3A_207 = arith.cmpi ne, %and3A_205, %ne3A_206 : i32
          %convert_element_type3A_208 = arith.extui %ne3A_207 : i1 to i32
          %cond3A_209 = arith.constant 0 : i32
          %cond3A_210 = arith.cmpi ne, %convert_element_type3A_208, %cond3A_209 : i32
          scf.if %cond3A_210 {
            %multiple_of3A = tpu.assume_multiple %add3A_203, 8 : i32
            "tpu.region"() ({
              %run_scoped3A = tpu.sem_alloc : memref<!tpu.dma_semaphore, #tpu.memory_space<semaphore_mem>>
              %dma_start3A_215 = arith.constant 0 : i32
              %dma_start3A_216 = tpu.memref_slice %arg12[%multiple_of3A, %dma_start3A_215] : memref<128x256xf32, #tpu.memory_space<vmem>> -> memref<8x256xf32, #tpu.memory_space<vmem>>
              %dma_start3A_217 = arith.constant 0 : i32
              %dma_start3A_218 = arith.constant 0 : i32
              %dma_start3A_219 = tpu.memref_slice %arg4[%dma_start3A_217, %dma_start3A_218] : memref<128x256xf32, #tpu.memory_space<hbm>> -> memref<8x256xf32, #tpu.memory_space<hbm>>
              %dma_start3A_220 = arith.constant 0 : i32
              %dma_start3A_221 = tpu.memref_slice %arg12[%multiple_of3A, %dma_start3A_220] : memref<128x256xf32, #tpu.memory_space<vmem>> -> memref<8x256xf32, #tpu.memory_space<vmem>>
              %dma_start3A_222 = arith.constant 0 : i32
              %dma_start3A_223 = arith.constant 0 : i32
              %dma_start3A_224 = tpu.memref_slice %arg4[%dma_start3A_222, %dma_start3A_223] : memref<128x256xf32, #tpu.memory_space<hbm>> -> memref<8x256xf32, #tpu.memory_space<hbm>>
              tpu.enqueue_dma source(%dma_start3A_224 : memref<8x256xf32, #tpu.memory_space<hbm>>) target(%dma_start3A_221 : memref<8x256xf32, #tpu.memory_space<vmem>>) target_semaphore(%run_scoped3A : memref<!tpu.dma_semaphore, #tpu.memory_space<semaphore_mem>>)
              %dma_wait3A_225 = arith.constant 0 : i32
              %dma_wait3A_226 = tpu.memref_slice %arg12[%multiple_of3A, %dma_wait3A_225] : memref<128x256xf32, #tpu.memory_space<vmem>> -> memref<8x256xf32, #tpu.memory_space<vmem>>
              %dma_wait3A_227 = arith.constant 0 : i32
              %dma_wait3A_228 = arith.constant 0 : i32
              %dma_wait3A_229 = tpu.memref_slice %arg4[%dma_wait3A_227, %dma_wait3A_228] : memref<128x256xf32, #tpu.memory_space<hbm>> -> memref<8x256xf32, #tpu.memory_space<hbm>>
              %dma_wait3A_230 = arith.constant 0 : i32
              %dma_wait3A_231 = tpu.memref_slice %arg12[%multiple_of3A, %dma_wait3A_230] : memref<128x256xf32, #tpu.memory_space<vmem>> -> memref<8x256xf32, #tpu.memory_space<vmem>>
              %dma_wait3A_232 = arith.constant 0 : i32
              %dma_wait3A_233 = arith.constant 0 : i32
              %dma_wait3A_234 = tpu.memref_slice %arg4[%dma_wait3A_232, %dma_wait3A_233] : memref<128x256xf32, #tpu.memory_space<hbm>> -> memref<8x256xf32, #tpu.memory_space<hbm>>
              tpu.wait_dma2 semaphore(%run_scoped3A : memref<!tpu.dma_semaphore, #tpu.memory_space<semaphore_mem>>) src(%dma_wait3A_234 : memref<8x256xf32, #tpu.memory_space<hbm>>) dst(%dma_wait3A_231 : memref<8x256xf32, #tpu.memory_space<vmem>>)
              tpu.yield
            }) : () -> ()
          } else {
          }
          %jit3A_211 = arith.constant 8 : i32
          %jit3A_212 = arith.constant 0 : i32
          %select_n3A_213 = arith.select %ne3A_207, %jit3A_211, %jit3A_212 : i32
          %add3A_214 = arith.addi %add3A_203, %select_n3A_213 : i32
        } else {
        }
        %mul3A_144 = arith.constant 128 : i32
        %mul3A_145 = arith.muli %add3A_116, %mul3A_144 : i32
        %add3A_146 = arith.addi %mul3A_32, %mul3A_145 : i32
        %dma_start3A = arith.constant 0 : i32
        %dma_start3A_147 = tpu.memref_slice %arg5[%select_n3A, %add3A_146, %dma_start3A] : memref<16x2048x256xf32, #tpu.memory_space<hbm>> -> memref<1x128x256xf32, #tpu.memory_space<hbm>>
        %dma_start3A_148 = tpu.memref_squeeze %dma_start3A_147 : memref<1x128x256xf32, #tpu.memory_space<hbm>> -> memref<128x256xf32, #tpu.memory_space<hbm>>
        %dma_start3A_149 = arith.constant 0 : i32
        %dma_start3A_150 = tpu.memref_slice %arg5[%select_n3A, %add3A_146, %dma_start3A_149] : memref<16x2048x256xf32, #tpu.memory_space<hbm>> -> memref<1x128x256xf32, #tpu.memory_space<hbm>>
        %dma_start3A_151 = tpu.memref_squeeze %dma_start3A_150 : memref<1x128x256xf32, #tpu.memory_space<hbm>> -> memref<128x256xf32, #tpu.memory_space<hbm>>
        tpu.enqueue_dma source(%arg12 : memref<128x256xf32, #tpu.memory_space<vmem>>) target(%dma_start3A_151 : memref<128x256xf32, #tpu.memory_space<hbm>>) target_semaphore(%arg18 : memref<!tpu.dma_semaphore, #tpu.memory_space<semaphore_mem>>)
      } else {
      }
      %add3A_123 = arith.constant 3 : i32
      %add3A_124 = arith.addi %mul3A_100, %add3A_123 : i32
      %mul3A_125 = arith.constant 128 : i32
      %mul3A_126 = arith.muli %add3A_124, %mul3A_125 : i32
      %lt3A_127 = arith.cmpi slt, %mul3A_126, %min3A : i32
      %convert_element_type3A_128 = arith.extui %lt3A_127 : i1 to i32
      %cond3A_129 = arith.constant 0 : i32
      %cond3A_130 = arith.cmpi ne, %convert_element_type3A_128, %cond3A_129 : i32
      scf.if %cond3A_130 {
        %add3A_131 = arith.constant 1 : i32
        %add3A_132 = arith.addi %mul3A_100, %add3A_131 : i32
        %mul3A_133 = arith.constant 128 : i32
        %mul3A_134 = arith.muli %add3A_132, %mul3A_133 : i32
        %add3A_135 = arith.addi %mul3A_32, %mul3A_134 : i32
        %dma_wait3A = arith.constant 0 : i32
        %dma_wait3A_136 = tpu.memref_slice %arg5[%select_n3A, %add3A_135, %dma_wait3A] : memref<16x2048x256xf32, #tpu.memory_space<hbm>> -> memref<1x128x256xf32, #tpu.memory_space<hbm>>
        %dma_wait3A_137 = tpu.memref_squeeze %dma_wait3A_136 : memref<1x128x256xf32, #tpu.memory_space<hbm>> -> memref<128x256xf32, #tpu.memory_space<hbm>>
        %dma_wait3A_138 = arith.constant 0 : i32
        %dma_wait3A_139 = tpu.memref_slice %arg5[%select_n3A, %add3A_135, %dma_wait3A_138] : memref<16x2048x256xf32, #tpu.memory_space<hbm>> -> memref<1x128x256xf32, #tpu.memory_space<hbm>>
        %dma_wait3A_140 = tpu.memref_squeeze %dma_wait3A_139 : memref<1x128x256xf32, #tpu.memory_space<hbm>> -> memref<128x256xf32, #tpu.memory_space<hbm>>
        tpu.wait_dma2 semaphore(%arg18 : memref<!tpu.dma_semaphore, #tpu.memory_space<semaphore_mem>>) src(%arg12 : memref<128x256xf32, #tpu.memory_space<vmem>>) dst(%dma_wait3A_140 : memref<128x256xf32, #tpu.memory_space<hbm>>)
        %add3A_141 = arith.constant 3 : i32
        %add3A_142 = arith.addi %mul3A_100, %add3A_141 : i32
        %mul3A_143 = arith.constant 128 : i32
        %mul3A_144 = arith.muli %add3A_142, %mul3A_143 : i32
        %dma_start3A = tpu.memref_slice %arg9[%mul3A_144] : memref<1024xi32, #tpu.memory_space<vmem>> -> memref<128xi32, #tpu.memory_space<vmem>>
        %dma_start3A_145 = arith.constant 0 : i32
        %dma_start3A_146 = arith.constant 0 : i32
        %dma_start3A_147 = tpu.memref_slice %arg2[%dma_start3A_145, %dma_start3A_146] : memref<8192x256xf32, #tpu.memory_space<hbm>> -> memref<8192x256xf32, #tpu.memory_space<hbm>>
        tpu.enqueue_indirect_dma source(%dma_start3A_147 : memref<8192x256xf32, #tpu.memory_space<hbm>>) target(%arg12 : memref<128x256xf32, #tpu.memory_space<vmem>>) offsets(%dma_start3A : memref<128xi32, #tpu.memory_space<vmem>>) semaphore(%arg15 : memref<!tpu.dma_semaphore, #tpu.memory_space<semaphore_mem>>)
      } else {
      }
    }
    %scan3A_91 = arith.constant 4 : i32
    %scan3A_92 = arith.constant 0 : i32
    %scan3A_93 = arith.constant 0 : i32
    %scan3A_94 = arith.constant 4 : i32
    %scan3A_95 = arith.addi %scan3A_93, %scan3A_94 : i32
    %scan3A_96 = arith.constant 1 : i32
    scf.for %scan3A_98 = %scan3A_93 to %scan3A_95 step %scan3A_96  : i32 {
      %mul3A_99 = arith.constant 2 : i32
      %mul3A_100 = arith.muli %mul3A_99, %scan3A_98 : i32
      %add3A_101 = arith.constant 0 : i32
      %add3A_102 = arith.addi %mul3A_100, %add3A_101 : i32
      %mul3A_103 = arith.constant 128 : i32
      %mul3A_104 = arith.muli %add3A_102, %mul3A_103 : i32
      %lt3A_105 = arith.cmpi slt, %mul3A_104, %min3A : i32
      %add3A_106 = arith.constant 2 : i32
      %add3A_107 = arith.addi %add3A_102, %add3A_106 : i32
      %mul3A_108 = arith.constant 128 : i32
      %mul3A_109 = arith.muli %add3A_107, %mul3A_108 : i32
      %ge3A = arith.cmpi sge, %mul3A_109, %min3A : i32
      %and3A_110 = arith.andi %lt3A_105, %ge3A : i1
      %convert_element_type3A_111 = arith.extui %and3A_110 : i1 to i32
      %cond3A_112 = arith.constant 0 : i32
      %cond3A_113 = arith.cmpi ne, %convert_element_type3A_111, %cond3A_112 : i32
      scf.if %cond3A_113 {
        %mul3A_142 = arith.constant 128 : i32
        %mul3A_143 = arith.muli %add3A_102, %mul3A_142 : i32
        %add3A_144 = arith.addi %mul3A_32, %mul3A_143 : i32
        %dma_wait3A = arith.constant 0 : i32
        %dma_wait3A_145 = tpu.memref_slice %arg5[%select_n3A, %add3A_144, %dma_wait3A] : memref<16x2048x256xf32, #tpu.memory_space<hbm>> -> memref<1x128x256xf32, #tpu.memory_space<hbm>>
        %dma_wait3A_146 = tpu.memref_squeeze %dma_wait3A_145 : memref<1x128x256xf32, #tpu.memory_space<hbm>> -> memref<128x256xf32, #tpu.memory_space<hbm>>
        %dma_wait3A_147 = arith.constant 0 : i32
        %dma_wait3A_148 = tpu.memref_slice %arg5[%select_n3A, %add3A_144, %dma_wait3A_147] : memref<16x2048x256xf32, #tpu.memory_space<hbm>> -> memref<1x128x256xf32, #tpu.memory_space<hbm>>
        %dma_wait3A_149 = tpu.memref_squeeze %dma_wait3A_148 : memref<1x128x256xf32, #tpu.memory_space<hbm>> -> memref<128x256xf32, #tpu.memory_space<hbm>>
        tpu.wait_dma2 semaphore(%arg17 : memref<!tpu.dma_semaphore, #tpu.memory_space<semaphore_mem>>) src(%arg11 : memref<128x256xf32, #tpu.memory_space<vmem>>) dst(%dma_wait3A_149 : memref<128x256xf32, #tpu.memory_space<hbm>>)
      } else {
      }
      %mul3A_114 = arith.constant 128 : i32
      %mul3A_115 = arith.muli %add3A_102, %mul3A_114 : i32
      %ge3A_116 = arith.cmpi sge, %mul3A_115, %min3A : i32
      %convert_element_type3A_117 = arith.extui %ge3A_116 : i1 to i32
      %cond3A_118 = arith.constant 0 : i32
      %cond3A_119 = arith.cmpi ne, %convert_element_type3A_117, %cond3A_118 : i32
      scf.if %cond3A_119 {
        %mul3A_142 = arith.constant 128 : i32
        %mul3A_143 = arith.muli %add3A_102, %mul3A_142 : i32
        %add3A_144 = arith.addi %mul3A_32, %mul3A_143 : i32
        %dma_wait3A = arith.constant 0 : i32
        %dma_wait3A_145 = tpu.memref_slice %arg5[%select_n3A, %add3A_144, %dma_wait3A] : memref<16x2048x256xf32, #tpu.memory_space<hbm>> -> memref<1x128x256xf32, #tpu.memory_space<hbm>>
        %dma_wait3A_146 = tpu.memref_squeeze %dma_wait3A_145 : memref<1x128x256xf32, #tpu.memory_space<hbm>> -> memref<128x256xf32, #tpu.memory_space<hbm>>
        %dma_wait3A_147 = arith.constant 0 : i32
        %dma_wait3A_148 = tpu.memref_slice %arg5[%select_n3A, %add3A_144, %dma_wait3A_147] : memref<16x2048x256xf32, #tpu.memory_space<hbm>> -> memref<1x128x256xf32, #tpu.memory_space<hbm>>
        %dma_wait3A_149 = tpu.memref_squeeze %dma_wait3A_148 : memref<1x128x256xf32, #tpu.memory_space<hbm>> -> memref<128x256xf32, #tpu.memory_space<hbm>>
        tpu.wait_dma2 semaphore(%arg19 : memref<!tpu.dma_semaphore, #tpu.memory_space<semaphore_mem>>) src(%arg13 : memref<128x256xf32, #tpu.memory_space<vmem>>) dst(%dma_wait3A_149 : memref<128x256xf32, #tpu.memory_space<hbm>>)
      } else {
      }
      %mul3A_120 = arith.constant 2 : i32
      %mul3A_121 = arith.muli %mul3A_120, %scan3A_98 : i32
      %add3A_122 = arith.constant 1 : i32
      %add3A_123 = arith.addi %mul3A_121, %add3A_122 : i32
      %mul3A_124 = arith.constant 128 : i32
      %mul3A_125 = arith.muli %add3A_123, %mul3A_124 : i32
      %lt3A_126 = arith.cmpi slt, %mul3A_125, %min3A : i32
      %add3A_127 = arith.constant 2 : i32
      %add3A_128 = arith.addi %add3A_123, %add3A_127 : i32
      %mul3A_129 = arith.constant 128 : i32
      %mul3A_130 = arith.muli %add3A_128, %mul3A_129 : i32
      %ge3A_131 = arith.cmpi sge, %mul3A_130, %min3A : i32
      %and3A_132 = arith.andi %lt3A_126, %ge3A_131 : i1
      %convert_element_type3A_133 = arith.extui %and3A_132 : i1 to i32
      %cond3A_134 = arith.constant 0 : i32
      %cond3A_135 = arith.cmpi ne, %convert_element_type3A_133, %cond3A_134 : i32
      scf.if %cond3A_135 {
        %mul3A_142 = arith.constant 128 : i32
        %mul3A_143 = arith.muli %add3A_123, %mul3A_142 : i32
        %add3A_144 = arith.addi %mul3A_32, %mul3A_143 : i32
        %dma_wait3A = arith.constant 0 : i32
        %dma_wait3A_145 = tpu.memref_slice %arg5[%select_n3A, %add3A_144, %dma_wait3A] : memref<16x2048x256xf32, #tpu.memory_space<hbm>> -> memref<1x128x256xf32, #tpu.memory_space<hbm>>
        %dma_wait3A_146 = tpu.memref_squeeze %dma_wait3A_145 : memref<1x128x256xf32, #tpu.memory_space<hbm>> -> memref<128x256xf32, #tpu.memory_space<hbm>>
        %dma_wait3A_147 = arith.constant 0 : i32
        %dma_wait3A_148 = tpu.memref_slice %arg5[%select_n3A, %add3A_144, %dma_wait3A_147] : memref<16x2048x256xf32, #tpu.memory_space<hbm>> -> memref<1x128x256xf32, #tpu.memory_space<hbm>>
        %dma_wait3A_149 = tpu.memref_squeeze %dma_wait3A_148 : memref<1x128x256xf32, #tpu.memory_space<hbm>> -> memref<128x256xf32, #tpu.memory_space<hbm>>
        tpu.wait_dma2 semaphore(%arg18 : memref<!tpu.dma_semaphore, #tpu.memory_space<semaphore_mem>>) src(%arg12 : memref<128x256xf32, #tpu.memory_space<vmem>>) dst(%dma_wait3A_149 : memref<128x256xf32, #tpu.memory_space<hbm>>)
      } else {
      }
      %mul3A_136 = arith.constant 128 : i32
      %mul3A_137 = arith.muli %add3A_123, %mul3A_136 : i32
      %ge3A_138 = arith.cmpi sge, %mul3A_137, %min3A : i32
      %convert_element_type3A_139 = arith.extui %ge3A_138 : i1 to i32
      %cond3A_140 = arith.constant 0 : i32
      %cond3A_141 = arith.cmpi ne, %convert_element_type3A_139, %cond3A_140 : i32
      scf.if %cond3A_141 {
        %mul3A_142 = arith.constant 128 : i32
        %mul3A_143 = arith.muli %add3A_123, %mul3A_142 : i32
        %add3A_144 = arith.addi %mul3A_32, %mul3A_143 : i32
        %dma_wait3A = arith.constant 0 : i32
        %dma_wait3A_145 = tpu.memref_slice %arg5[%select_n3A, %add3A_144, %dma_wait3A] : memref<16x2048x256xf32, #tpu.memory_space<hbm>> -> memref<1x128x256xf32, #tpu.memory_space<hbm>>
        %dma_wait3A_146 = tpu.memref_squeeze %dma_wait3A_145 : memref<1x128x256xf32, #tpu.memory_space<hbm>> -> memref<128x256xf32, #tpu.memory_space<hbm>>
        %dma_wait3A_147 = arith.constant 0 : i32
        %dma_wait3A_148 = tpu.memref_slice %arg5[%select_n3A, %add3A_144, %dma_wait3A_147] : memref<16x2048x256xf32, #tpu.memory_space<hbm>> -> memref<1x128x256xf32, #tpu.memory_space<hbm>>
        %dma_wait3A_149 = tpu.memref_squeeze %dma_wait3A_148 : memref<1x128x256xf32, #tpu.memory_space<hbm>> -> memref<128x256xf32, #tpu.memory_space<hbm>>
        tpu.wait_dma2 semaphore(%arg19 : memref<!tpu.dma_semaphore, #tpu.memory_space<semaphore_mem>>) src(%arg13 : memref<128x256xf32, #tpu.memory_space<vmem>>) dst(%dma_wait3A_149 : memref<128x256xf32, #tpu.memory_space<hbm>>)
      } else {
      }
    }
    %scan3A_97 = arith.constant 4 : i32
    return
  }
}

</mosaic_0001>

<sc_bundles>
// kernel: kernel.3.cloned.1.call-start
scs
__scs_entry_jumppad:
0x0: {  	(pc) =	sbr.rel $0x88, $3  }
0x1: {  	(tag) =	ssettag $0x0;
	lr =	simm.s32 $0x1  }
0x2: {  	[smem:$0x3F9F] =	sst lr;
	_ =	strace $0xD0000000  }
0x3: {  	_ = 	snop  }
0x4: {  	_ = 	snop  }
0x5: {  	_ = 	snop  }
0x6: {  	_ = 	snop  }
0x7: {  	_ = 	snop  }
__scs_overlays_trampoline_lowered:
0x8: {  	[smem:$0x3FAE] =	sst s0  }
0x9: {  	[smem:$0x3FAF] =	sst s1  }
0xa: {  	[smem:$0x3FB0] =	sst s2  }
0xb: {  	[smem:$0x3FB1] =	sst s3  }
0xc: {  	[smem:$0x3FB2] =	sst s4  }
0xd: {  	[smem:$0x3FB3] =	sst s5  }
0xe: {  	[smem:$0x3FB4] =	sst s6  }
0xf: {  	[smem:$0x3FB5] =	sst s7  }
0x10: {  	[smem:$0x3FB6] =	sst s8  }
0x11: {  	[smem:$0x3FB7] =	sst s9;
	s0 =	simm.s32 @!p0 $0x0  }
0x12: {  	s1 =	sld [smem:$0x3F9D];
	s0 =	simm.s32 @p0 $0x1  }
0x13: {  	[smem:$0x3FB8] =	sst s0;
	s0 =	simm.s32 @!p1 $0x0  }
0x14: {  	s2 =	sld [smem:$0x3F9C];
	s0 =	simm.s32 @p1 $0x1  }
0x15: {  	[smem:$0x3FB9] =	sst s0;
	s0 =	simm.s32 @!p2 $0x0  }
0x16: {  	s3 =	sld [smem:$0x3FDB];
	s0 =	simm.s32 @p2 $0x1  }
0x17: {  	s4 =	simm.s32 $0x1BF5;
	[smem:$0x3FBB] =	sst s0  }
0x18: {  	s0 =	sld [smem:$0x3F9E];
	_ =	swait.ge [sflag:s4], $0x0  }
0x19: {  	s7 =	sld [smem:$0x3F9F]  }
0x1a: {  	s8 =	sadd.s32 $0xFFFFE003, lr  }
0x1b: {  	s9 =	sadd.s32 $0xFFFFFEF7, lr;
	s5 =	simm.s32 $0xFFFFFFFF;
	p2 =	slt.u32 s8, $0xFFFFF086  }
0x1c: {  	p1 =	slt.u32 s9, $0xF7A;
	s5 =	simm.s32 @!p2 $0x0  }
0x1d: {  	s5 =	simm.s32 @p1 $0x1;
	p0 =	seq.s32 s7, s2  }
0x1e: {  	s7 =	smul.u32 @!p0 $0xF7A, s2;
	p2 =	seq.s32 @!p0 s5, $0x0  }
0x1f: {  	s9 =	smul.u32 $0xF7A, s1;
	s8 =	simm.s32 @!p0 $0x1BF5;
	p2 =	por !p2, p0  }
0x20: {  	[sflag:s8] =	ssyncset.s32 @!p0 $0xFFFFF086;
	s6 =	sadd.s32 @!p0 s3, s7;
	s7 =	simm.s32 @!p0 $0x108  }
0x21: {  	s3 =	sadd.s32 s3, s9;
	s6 =	sadd.s32 @!p0 $0x88, s6;
	s7 =	simm.s32 @p2 $0x1082  }
0x22: {  	[simem:s7], [sflag:s8] =	dma.local @!p0 [hbm:s6], $0xF7A  }
0x23: {  	s9 =	sor.u32 $0xD0000000, s2;
	s6 =	simm.s32 $0x108;
	_ =	swait.ge @!p0 [sflag:s8], $0x0  }
0x24: {  	s3 =	sadd.s32 $0x88, s3;
	s6 =	simm.s32 @!p1 $0x1082;
	[sflag:s4] =	ssyncset.s32 $0xFFFFF086  }
0x25: {  	[simem:s6], [sflag:s4] =	dma.local [hbm:s3], $0xF7A  }
0x26: {  	[smem:$0x3F9F] =	sst s1;
	(tag) =	ssettag s2;
	_ =	strace s9  }
0x27: {  	s1 =	sld [smem:$0x3FAF]  }
0x28: {  	s2 =	sld [smem:$0x3FB0]  }
0x29: {  	s4 =	sld [smem:$0x3FB2]  }
0x2a: {  	p0 =	seq.s32 s5, $0x0;
	s5 =	sld [smem:$0x3FB3]  }
0x2b: {  	s6 =	sld [smem:$0x3FB4]  }
0x2c: {  	s7 =	sld [smem:$0x3FB5]  }
0x2d: {  	s3 =	simm.s32 $0x108;
	s8 =	sld [smem:$0x3FB6]  }
0x2e: {  	s3 =	simm.s32 @!p0 $0x1082;
	s9 =	sld [smem:$0x3FB7]  }
0x2f: {  	lr =	sadd.s32 s0, s3;
	s0 =	sld [smem:$0x3FAE]  }
0x30: {  	s3 =	sld [smem:$0x3FB1]  }
0x31: {  	[smem:$0x3FBA] =	sst s10  }
0x32: {  	s10 =	sld [smem:$0x3FB8];
	_ =	sdelay $0x3  }
0x33: {  	p0 =	seq.s32 s10, $0x1;
	s10 =	sld [smem:$0x3FBA];
	_ =	sdelay $0x3  }
0x34: {  	[smem:$0x3FBA] =	sst s10  }
0x35: {  	s10 =	sld [smem:$0x3FB9];
	_ =	sdelay $0x3  }
0x36: {  	p1 =	seq.s32 s10, $0x1;
	s10 =	sld [smem:$0x3FBA];
	_ =	sdelay $0x3  }
0x37: {  	[smem:$0x3FBA] =	sst s10  }
0x38: {  	s10 =	sld [smem:$0x3FBB]  }
0x39: {  	_ = 	snop;
	(pc) =	sbr.ind lr, $3  }
0x3a: {  	_ = 	snop  }
0x3b: {  	_ = 	snop  }
0x3c: {  	p2 =	seq.s32 s10, $0x1;
	s10 =	sld [smem:$0x3FBA]  }
0x3d: {  	_ =	shalt  }
0x3e: {  	_ =	shalt  }
0x3f: {  	_ =	shalt  }
0x40: {  	_ =	shalt  }
0x41: {  	_ =	shalt  }
0x42: {  	_ =	shalt  }
0x43: {  	_ =	shalt  }
0x44: {  	_ =	shalt  }
0x45: {  	_ =	shalt  }
0x46: {  	_ =	shalt  }
0x47: {  	_ =	shalt  }
0x48: {  	_ =	shalt  }
0x49: {  	_ =	shalt  }
0x4a: {  	_ =	shalt  }
0x4b: {  	_ =	shalt  }
0x4c: {  	_ =	shalt  }
0x4d: {  	_ =	shalt  }
0x4e: {  	_ =	shalt  }
0x4f: {  	_ =	shalt  }
0x50: {  	_ =	shalt  }
0x51: {  	_ =	shalt  }
0x52: {  	_ =	shalt  }
0x53: {  	_ =	shalt  }
0x54: {  	_ =	shalt  }
0x55: {  	_ =	shalt  }
0x56: {  	_ =	shalt  }
0x57: {  	_ =	shalt  }
0x58: {  	_ =	shalt  }
0x59: {  	_ =	shalt  }
0x5a: {  	_ =	shalt  }
0x5b: {  	_ =	shalt  }
0x5c: {  	_ =	shalt  }
0x5d: {  	_ =	shalt  }
0x5e: {  	_ =	shalt  }
0x5f: {  	_ =	shalt  }
0x60: {  	_ =	shalt  }
0x61: {  	_ =	shalt  }
0x62: {  	_ =	shalt  }
0x63: {  	_ =	shalt  }
0x64: {  	_ =	shalt  }
0x65: {  	_ =	shalt  }
0x66: {  	_ =	shalt  }
0x67: {  	_ =	shalt  }
0x68: {  	_ =	shalt  }
0x69: {  	_ =	shalt  }
0x6a: {  	_ =	shalt  }
0x6b: {  	_ =	shalt  }
0x6c: {  	_ =	shalt  }
0x6d: {  	_ =	shalt  }
0x6e: {  	_ =	shalt  }
0x6f: {  	_ =	shalt  }
0x70: {  	_ =	shalt  }
0x71: {  	_ =	shalt  }
0x72: {  	_ =	shalt  }
0x73: {  	_ =	shalt  }
0x74: {  	_ =	shalt  }
0x75: {  	_ =	shalt  }
0x76: {  	_ =	shalt  }
0x77: {  	_ =	shalt  }
0x78: {  	_ =	shalt  }
0x79: {  	_ =	shalt  }
0x7a: {  	_ =	shalt  }
0x7b: {  	_ =	shalt  }
0x7c: {  	_ =	shalt  }
0x7d: {  	_ =	shalt  }
0x7e: {  	_ =	shalt  }
0x7f: {  	_ =	shalt  }
0x80: {  	_ =	shalt  }
0x81: {  	_ =	shalt  }
0x82: {  	_ =	shalt  }
0x83: {  	_ =	shalt  }
0x84: {  	_ =	shalt  }
0x85: {  	_ =	shalt  }
0x86: {  	_ =	shalt  }
0x87: {  	_ =	shalt  }
.Lfunc_end0:
.L_simem_size_0:
called_computation_lowered:
.L_overlay_start_0:
0x88: {  	s2 =	sld [smem:$0x3FD9]  }
0x89: {  	s3 =	sld [smem:$0x3FFE];
	_ =	sdelay $0x1  }
0x8a: {  	s1 =	srdreg.scid  }
0x8b: {  	s0 =	sand.u32 $0x1, s1  }
0x8c: {  	s14 =	sshll.u32 s0, $0xA;
	s2 =	sadd.s32 s3, s2  }
0x8d: {  	s2 =	sadd.s32 s2, s14  }
0x8e: {  	[smem:$0x3FC6] =	sst s2  }
0x8f: {  	_ = 	snop  }
0x90: {  	s2 =	sld [smem:$0x3FD0];
	_ =	sdelay $0x1  }
0x91: {  	s15 =	sld [smem:$0x3FC9]  }
0x92: {  	s5 =	simm.s32 $0xA;
	s6 =	simm.s32 $0x10;
	s4 =	sld [smem:$0x3FC8]  }
0x93: {  	[smem:s6], [sflag:s5] =	dma.local [hbm:s2], $0x1  }
0x94: {  	_ =	swait.eq [sflag:s5], $0x1  }
0x95: {  	[sflag:s5] =	ssyncset.done $0x0  }
0x96: {  	[sflag:s5] =	ssyncadd.s32 $0xFFFFFFFF  }
0x97: {  	s16 =	sld [smem:$0x10];
	(tm) =	ssettm $0x1  }
0x98: {  	s17 =	sld [smem:$0x3FFB];
	_ =	sdelay $0x3  }
0x99: {  	_ =	strace s17  }
0x9a: {  	s5 =	sld [smem:$0x3FFC];
	_ =	sdelay $0x3  }
0x9b: {  	_ =	strace s5  }
0x9c: {  	s5 =	sld [smem:$0x3FFD];
	_ =	sdelay $0x3  }
0x9d: {  	_ =	strace s5  }
0x9e: {  	_ =	strace $0x8FFFFFFF  }
0x9f: {  	s18 =	sld [smem:$0x3FDB];
	_ =	sdelay $0x1  }
0xa0: {  	s19 =	simm.s32 $_scs_section_size  }
0xa1: {  	s7 =	simm.s32 $_size__tile_overlayer_lowered;
	s8 =	simm.s32 $_tile_overlayer_lowered  }
0xa2: {  	s22 =	simm.s32 $0x1BFF;
	s21 =	sshll.u32 s8, $0x1;
	s5 =	sadd.s32 s19, s18  }
0xa3: {  	s9 =	simm.s32 $0x0;
	s20 =	sshll.u32 s7, $0x1;
	s7 =	sadd.s32 s21, s5  }
0xa4: {  	[timem:s9], [sflag:s22] =	dma.local [hbm:s7], s20  }
0xa5: {  	_ =	swait.ge [sflag:s22], s20  }
0xa6: {  	s6 =	ssub.s32 $0x0, s20;
	[sflag:s22] =	ssyncset.done $0x0  }
0xa7: {  	[sflag:s22] =	ssyncadd.s32 s6;
	_ =	sdelay $0x1  }
0xa8: {  	s23 =	simm.s32 $0x1B8B  }
0xa9: {  	_ =	swait.ge [sflag:s23], $0x1  }
0xaa: {  	[sflag:s23] =	ssyncset.done $0x0  }
0xab: {  	s25 =	simm.s32 $0x1B8E;
	s24 =	sld [smem:$0x3FFE];
	[sflag:s23] =	ssyncadd.s32 $0xFFFFFFFF  }
0xac: {  	s26 =	simm.s32 $execute0_lowered;
	[smem:$0x3FD2] =	sst s25  }
0xad: {  	s7 =	sshll.u32 s26, $0x1;
	_ =	strace $0x80000046;
	[dreg:$0x1] =	wrdreg $0xFFFFFFFF  }
0xae: {  	s28 =	simm.s32 $_size_execute0_lowered;
	s5 =	sadd.s32 s5, s7;
	[dreg:$0x0] =	wrdreg $0x0  }
0xaf: {  	s7 =	sshll.u32 s28, $0x1;
	[dreg:$0x2] =	wrdreg s5  }
0xb0: {  	[dreg:$0x3] =	wrdreg s7  }
0xb1: {  	[dreg:$0x4] =	wrdreg $0xC0  }
0xb2: {  	_ =	task [dreg:s9], $0x5FFFF  }
0xb3: {  	[dreg:$0x1] =	wrdreg $0xFFFFFFFF  }
0xb4: {  	[dreg:$0x0] =	wrdreg $0x60  }
0xb5: {  	[dreg:$0x2] =	wrdreg s15  }
0xb6: {  	[dreg:$0x3] =	wrdreg s4  }
0xb7: {  	[dreg:$0x4] =	wrdreg s24  }
0xb8: {  	[dreg:$0x5] =	wrdreg s16  }
0xb9: {  	[dreg:$0x6] =	wrdreg $0x9  }
0xba: {  	_ =	task.clear_ibuf [dreg:s9], $0x7FFFF;
	_ =	strace $0x90000046  }
0xbb: {  	s29 =	simm.s32 $0x9;
	_ =	strace $0x80000048  }
0xbc: {  	_ =	swait.ge [sflag:s29], $0x1  }
0xbd: {  	[sflag:s29] =	ssyncadd.s32 $0xFFFFFFFF  }
0xbe: {  	_ =	strace $0x90000048  }
0xbf: {  	_ =	sfence  }
0xc0: {  	s30 =	sld [smem:$0x0];
	_ =	sdelay $0x2  }
0xc1: {  	s31 =	sshll.u32 s1, $0xD;
	s1 =	sshrl.u32 s1, $0x2  }
0xc2: {  	s3 =	sand.u32 $0x4000, s31;
	s1 =	sadd.s32 s1, s30  }
0xc3: {  	s0 =	sor.u32 s3, s0;
	s1 =	sshll.u32 s1, $0x11  }
0xc4: {  	s0 =	sor.u32 s1, s0  }
0xc5: {  	s0 =	sadd.s32 $0x8F2B, s0  }
0xc6: {  	[sflag:s0] =	ssyncadd.remote.s32 $0x1  }
0xc7: {  	_ =	sfence.sel $0xFFFF  }
0xc8: {  	[dreg:$0x0] =	wrdreg $0xFFFFFFFF;
	(pc) =	sbr.abs _section_cstart, $3  }
0xc9: {  	[dreg:$0x1] =	wrdreg $0xFFFFFFFF  }
0xca: {  	_ =	task.clear_ibuf [dreg:s9], $0x2FFFF;
	_ =	strace $0x9FFFFFFF  }
0xcb: {  	(tm) =	ssettm $0x7FFFFFFF  }
tec
execute0_lowered:
.L_overlay_start_1:
0x0: {  	(tag) =	ssettag $0x1  }
0x1: {  	s0 =	srdreg.scid  }
0x2: {  	s5 =	stileid.u32;
	s9 =	rddreg [dreg:$0x1]  }
0x3: {  	s8 =	rddreg [dreg:$0x2];
	s4 =	simm.s32 $0x1;
	s28 =	simm.s32 $0x8E00  }
0x4: {  	s31 =	simm.s32 $0x9600;
	s0 =	sand.u32 $0x1, s0;
	s3 =	sand.u32 $0x1, s5  }
0x5: {  	s19 =	simm.s32 $0x4;
	s1 =	sshll.u32 s0, $0x4;
	p1 =	seq.s32 s3, $0x1  }
0x6: {  	s3 =	rddreg [dreg:$0x3];
	s0 =	ssub.s32 $0x2, s0;
	s2 =	sor.u32 s5, s1  }
0x7: {  	s1 =	rddreg [dreg:$0x0];
	s5 =	sshll.u32 s5, $0xA;
	s13 =	sshrl.u32 s0, $0x1  }
0x8: {  	p0 =	seq.s32 s2, $0x0;
	s2 =	sshrl.u32 s2, $0x1;
	s5 =	sand.u32 $0x400, s5  }
0x9: {  	s0 =	ssub.s32 s0, s13;
	s13 =	simm.s32 $0x10E00;
	p0 =	por !p0, !p1  }
0xa: {  	s11 =	sshll.u32 s5, $0x3;
	s16 =	sshll.u32 s5, $0x8;
	p0 =	por !p0, !p0  }
0xb: {  	s18 =	sadd.s32 $0x400, s5;
	s0 =	smax.u32 s0, $0x1;
	s4 =	simm.s32 @!p0 $0x0  }
0xc: {  	s29 =	sor.u32 $0x80, s5;
	s30 =	sor.u32 $0x100, s5;
	s2 =	ssub.s32 s2, s4  }
0xd: {  	s4 =	simm.s32 $0x0;
	s10 =	sshrl.u32 s2, $0x3;
	s6 =	sshll.u32 s2, $0x7  }
0xe: {  	[smem:$0x7FF] =	sst s4;
	s7 =	sshll.u32 s10, $0xE;
	s12 =	sand.u32 $0x380, s6  }
0xf: {  	_ =	strace $0x80000047;
	s6 =	sadd.s32 $0x800, s8;
	s14 =	sor.u32 s11, s7  }
0x10: {  	s15 =	sshll.u32 s10, $0xC;
	[dreg:$0x8] =	wrdreg s0;
	s11 =	sor.u32 s12, s14  }
0x11: {  	[dreg:$0x10] =	wrdreg s29;
	s10 =	sor.u32 s12, s15;
	s11 =	sshrl.u32 s11, $0x3  }
0x12: {  	s10 =	sshrl.u32 s10, $0x3;
	s11 =	sadd.s32 s11, s8;
	s8 =	sshll.u32 s2, $0x13  }
0x13: {  	[dreg:$0x11] =	wrdreg s30;
	s9 =	sadd.s32 s9, s10;
	s12 =	sor.u32 s8, s16  }
0x14: {  	[dreg:$0x5] =	wrdreg s9;
	s11 =	sadd.s32 $0x1800, s11;
	s17 =	sshrl.u32 s12, $0x3  }
0x15: {  	s7 =	simm.s32 $0x1;
	[dreg:$0x7] =	wrdreg s11;
	s9 =	sadd.s32 s3, s17  }
0x16: {  	s15 =	simm.s32 $0x7E00;
	s20 =	sadd.s32 $0x1000, s9;
	[dreg:$0x6] =	wrdreg s9  }
0x17: {  	s14 =	simm.s32 $0x80;
	s21 =	sadd.s32 $0x2000, s9;
	[dreg:$0x9] =	wrdreg s20  }
0x18: {  	s2 =	sshll.u32 s2, $0x9;
	s22 =	sadd.s32 $0x3000, s9;
	[dreg:$0xa] =	wrdreg s21  }
0x19: {  	s16 =	simm.s32 $0x8600;
	s23 =	sadd.s32 $0x4000, s9;
	[dreg:$0xb] =	wrdreg s22  }
.Ltmp0:
0x1a: {  	s24 =	sadd.s32 $0x5000, s9;
	[dreg:$0xc] =	wrdreg s23;
	(pc) =	sbr.rel .LBB2_1-.Ltmp0, $4  }
0x1b: {  	v1 =	vlaneseq.u32;
	v4 =	vimm.s32 $0x0;
	s12 =	simm.s32 $0xE00;
	s25 =	sadd.s32 $0x6000, s9;
	[dreg:$0xd] =	wrdreg s24  }
0x1c: {  	vm0 =	vmmov $0xffff;
	v8 =	vimm.f32 $0.0e+00;
	v6 =	vshrl.u32 v1, $0x3;
	s17 =	simm.s32 $0x2;
	s26 =	sadd.s32 $0x7000, s9;
	[dreg:$0xe] =	wrdreg s25  }
0x1d: {  	v5 =	vand.u32 $0x7, v1;
	v7 =	vor.u32 $0x8, v1;
	v6 =	vmul.u32 $0x8, v6;
	s9 =	simm.s32 $0x0;
	[dreg:$0xf] =	wrdreg s26;
	s22 =	simm.s32 $0x400  }
0x1e: {  	v3 =	vmov s5;
	v0 =	vmov s18;
	v2 =	vmov s2;
	s25 =	simm.s32 $0x7;
	s26 =	simm.s32 $0x200;
	s23 =	simm.s32 $0x5  }
.LBB2_57:
0x1f: {  	s0 =	simm.s32 $0x6  }
.LBB2_58:
0x20: {  	_ =	swait.ge [sflag:s0], $0x8000  }
0x21: {  	[sflag:s0] =	ssyncset.done $0x0  }
0x22: {  	[sflag:s0] =	ssyncadd.s32 $0xFFFF8000  }
.LBB2_59:
0x23: {  	s0 =	simm.s32 @!p5 $0x6  }
0x24: {  	s2 =	sadd.s32 $0xFFFFFEFF, s24;
	_ =	swait.ge @!p5 [sflag:s0], $0x8000  }
0x25: {  	p2 =	sgt.u32 s2, $0xFF;
	[sflag:s0] =	ssyncset.done @!p5 $0x0  }
0x26: {  	[sflag:s0] =	ssyncadd.s32 @!p5 $0xFFFF8000;
	s0 =	simm.s32 @!p2 $0x4  }
0x27: {  	_ =	swait.ge @!p2 [sflag:s0], $0x8000  }
0x28: {  	[sflag:s0] =	ssyncset.done @!p2 $0x0  }
0x29: {  	[sflag:s0] =	ssyncadd.s32 @!p2 $0xFFFF8000;
	s0 =	simm.s32 @!p0 $0x6  }
0x2a: {  	s30 =	sadd.s32 $0xFFFFFE7F, s24;
	_ =	swait.ge @!p0 [sflag:s0], $0x8000  }
0x2b: {  	p2 =	sgt.u32 s30, $0xFF;
	[sflag:s0] =	ssyncset.done @!p0 $0x0  }
0x2c: {  	[sflag:s0] =	ssyncadd.s32 @!p0 $0xFFFF8000;
	s0 =	simm.s32 @!p2 $0x5  }
0x2d: {  	_ =	swait.ge @!p2 [sflag:s0], $0x8000  }
0x2e: {  	s18 =	sld [smem:$0x7FA];
	_ =	sdelay $0x2  }
0x2f: {  	[sflag:s0] =	ssyncset.done @!p2 $0x0;
	p1 =	seq.s32 s18, $0x1  }
0x30: {  	[sflag:s0] =	ssyncadd.s32 @!p2 $0xFFFF8000;
	s0 =	simm.s32 @!p1 $0x6  }
0x31: {  	s20 =	sadd.s32 $0xFFFFFDFF, s24;
	_ =	swait.ge @!p1 [sflag:s0], $0x8000  }
0x32: {  	p0 =	sgt.u32 s20, $0xFF;
	[sflag:s0] =	ssyncset.done @!p1 $0x0  }
0x33: {  	[sflag:s0] =	ssyncadd.s32 @!p1 $0xFFFF8000;
	s0 =	simm.s32 @!p0 $0x4  }
0x34: {  	_ =	swait.ge @!p0 [sflag:s0], $0x8000  }
0x35: {  	s21 =	sld [smem:$0x7F9];
	_ =	sdelay $0x2  }
0x36: {  	[sflag:s0] =	ssyncset.done @!p0 $0x0;
	p1 =	seq.s32 s21, $0x1  }
0x37: {  	[sflag:s0] =	ssyncadd.s32 @!p0 $0xFFFF8000;
	s0 =	simm.s32 @!p1 $0x6  }
0x38: {  	s24 =	sadd.s32 $0xFFFFFD7F, s24;
	_ =	swait.ge @!p1 [sflag:s0], $0x8000  }
0x39: {  	p0 =	sgt.u32 s24, $0xFF;
	[sflag:s0] =	ssyncset.done @!p1 $0x0  }
0x3a: {  	[sflag:s0] =	ssyncadd.s32 @!p1 $0xFFFF8000;
	s0 =	simm.s32 @!p0 $0x5  }
0x3b: {  	_ =	swait.ge @!p0 [sflag:s0], $0x8000  }
0x3c: {  	s29 =	sld [smem:$0x7FC];
	_ =	sdelay $0x1  }
0x3d: {  	[sflag:s0] =	ssyncset.done @!p0 $0x0  }
0x3e: {  	[sflag:s0] =	ssyncadd.s32 @!p0 $0xFFFF8000;
	p0 =	seq.s32 s29, $0x1  }
0x3f: {  	s0 =	simm.s32 @!p0 $0x6  }
0x40: {  	_ =	swait.ge @!p0 [sflag:s0], $0x8000  }
0x41: {  	[sflag:s0] =	ssyncset.done @!p0 $0x0  }
0x42: {  	[sflag:s0] =	ssyncadd.s32 @!p0 $0xFFFF8000  }
0x43: {  	_ =	swait.ge [sflag:s10], $0x8000  }
0x44: {  	[sflag:s10] =	ssyncset.done $0x0  }
0x45: {  	[sflag:s10] =	ssyncadd.s32 $0xFFFF8000  }
0x46: {  	_ =	swait.ge [sflag:s11], $0x8000  }
0x47: {  	s9 =	sadd.s32 $0x1, s9;
	s30 =	rddreg [dreg:$0x8]  }
0x48: {  	p0 =	sne.s32 s9, s30  }
.Ltmp1:
0x49: {  	_ = 	snop;
	(pc) =	sbr.rel @!p0 .LBB2_60-.Ltmp1, $3  }
0x4a: {  	_ =	sdelay $0x1  }
0x4b: {  	[sflag:s11] =	ssyncset.done $0x0  }
0x4c: {  	[sflag:s11] =	ssyncadd.s32 $0xFFFF8000  }
.LBB2_1:
0x4d: {  	[dreg:$0x12] =	wrdreg s9  }
0x4e: {  	[tilespmem:s13], [sflag:$0x3] =	stream.linear.gather [hbm4b:s6+s4], $0x8000, $0x38;
	[tilespmem:$0x18E00] =	vst v63  }
0x4f: {  	s0 =	rddreg [dreg:$0x5]  }
0x50: {  	[tilespmem:s4], [sflag:$0x7] =	stream.strided.gather [hbm4b:s0+s14], $0x200, s22, s14, $0x38;
	[tilespmem:$0x18E00] =	vst v63  }
0x51: {  	_ =	swait.ge [sflag:s25], $0x200  }
0x52: {  	[sflag:s25] =	ssyncset.done $0x0  }
0x53: {  	s0 =	simm.s32 $0x0;
	[sflag:s25] =	ssyncadd.s32 $0xFFFFFE00  }
.LBB2_2:
0x54: {  	p0 =	sne.s32 s0, $0xFC0  }
.Ltmp2:
0x55: {  	_ = 	snop;
	(pc) =	sbr.rel @p0 .LBB2_2-.Ltmp2, $3  }
0x56: {  	_ =	sdelay $0x1  }
0x57: {  	s2 =	sshra.s32 s0, $0x2  }
0x58: {  	s0 =	sadd.s32 $0x40, s0;
	[tilespmem:s2+$0x200] =	vst v4  }
0x59: {  	s9 =	simm.s32 $0x0  }
0x5a: {  	v9 =	vld [tilespmem:s9+$0x0];
	_ =	sdelay $0x4  }
0x5b: {  	vm1 =	vgt.s32 v9, $0x0  }
0x5c: {  	v9 =	vnsel vm1, $0x0, v9  }
0x5d: {  	(xrf0) =	vadd.scan.msk.s32 $0xffff, v9;
	_ =	sdelay $0x5  }
0x5e: {  	v10, _, _ =	vpop (xrf0)  }
0x5f: {  	v10 =	vadd.s32 s9, v10  }
0x60: {  	v9 =	vsub.s32 v10, v9  }
0x61: {  	vm2 =	vge.s32 v9, v3  }
0x62: {  	vm1 =	vmand vm1, vm2;
	vm2 =	vlt.s32 v9, v0  }
0x63: {  	vm1 =	vmand vm2, vm1;
	vm2 =	vle.s32 v10, v3;
	v10 =	vxor.u32 $0x80000000, v10  }
0x64: {  	v11 =	vsub.s32 v9, v3;
	v12 =	vsel vm2, $0x1, v4;
	(xrf0) =	vmax.scan.msk.u32 $0xffff, v10  }
0x65: {  	v11 =	vand.u32 $0xFFFFFF80, v11;
	v9 =	vand.u32 $0x7F, v9;
	(xrf0) =	vadd.scan.msk.s32 $0xffff, v12  }
0x66: {  	v9 =	vor.u32 v9, v11;
	_ =	sdelay $0x1  }
0x67: {  	v11 =	vor.u32 s9, v1;
	_ =	sdelay $0x1  }
0x68: {  	v10, _, _ =	vpop (xrf0)  }
0x69: {  	[tilespmem:v9+s26+$0x0] =	vst.idx.msk vm1, v11;
	v11, _, _ =	vpop (xrf0);
	(v2sf) =	vpush v10, $0xF  }
0x6a: {  	(v2sf) =	vpush v11, $0xF  }
0x6b: {  	s18 =	simm.s32 $0x10  }
0x6c: {  	v9 =	vld [tilespmem:s18+$0x0];
	_ =	sdelay $0x4  }
0x6d: {  	vm1 =	vgt.s32 v9, $0x0  }
0x6e: {  	v9 =	vnsel vm1, $0x0, v9  }
0x6f: {  	(xrf0) =	vadd.scan.msk.s32 $0xffff, v9;
	_ =	sdelay $0x2  }
0x70: {  	s11 =	simm.s32 $0x20;
	s21 =	simm.s32 $0x30;
	s20 =	simm.s32 $0x10  }
.LBB2_4:
0x71: {  	p0 =	sne.s32 s21, $0x1F0  }
0x72: {  	s0 =	spop (v2sf)  }
0x73: {  	v10, _, _ =	vpop (xrf0);
	s0 =	sxor.u32 $0x80000000, s0;
	s2 =	spop (v2sf)  }
0x74: {  	v10 =	vadd.s32 s0, v10;
	s9 =	sadd.s32 s9, s2  }
0x75: {  	v9 =	vsub.s32 v10, v9;
	vm2 =	vle.s32 v10, v3;
	v10 =	vxor.u32 $0x80000000, v10  }
0x76: {  	vm3 =	vge.s32 v9, v3;
	v11 =	vsel vm2, $0x1, v4;
	(xrf0) =	vmax.scan.msk.u32 $0xffff, v10  }
0x77: {  	vm2 =	vlt.s32 v9, v0;
	v10 =	vsub.s32 v9, v3;
	vm1 =	vmand vm1, vm3;
	(xrf0) =	vadd.scan.msk.s32 $0xffff, v11  }
0x78: {  	v9 =	vand.u32 $0x7F, v9;
	v10 =	vand.u32 $0xFFFFFF80, v10;
	vm1 =	vmand vm2, vm1  }
0x79: {  	v9 =	vor.u32 v9, v10;
	_ =	sdelay $0x2  }
0x7a: {  	v10, _, _ =	vpop (xrf0)  }
0x7b: {  	v11 =	vor.u32 s18, v1;
	s18 =	smov.u32 s11;
	s11 =	smov.u32 s21;
	v12, _, _ =	vpop (xrf0);
	(v2sf) =	vpush v10, $0xF  }
0x7c: {  	[tilespmem:v9+s26+$0x0] =	vst.idx.msk vm1, v11;
	(v2sf) =	vpush v12, $0xF  }
0x7d: {  	s20 =	sadd.s32 $0x10, s20  }
0x7e: {  	v9 =	vld [tilespmem:s20+$0x0];
	_ =	sdelay $0x4  }
0x7f: {  	vm1 =	vgt.s32 v9, $0x0  }
.Ltmp3:
0x80: {  	v9 =	vnsel vm1, $0x0, v9;
	(pc) =	sbr.rel @p0 .LBB2_4-.Ltmp3, $2  }
0x81: {  	(xrf0) =	vadd.scan.msk.s32 $0xffff, v9;
	_ =	sdelay $0x2  }
0x82: {  	s21 =	sadd.s32 $0x10, s21  }
0x83: {  	_ = 	snop  }
0x84: {  	s0 =	spop (v2sf)  }
0x85: {  	v10, _, _ =	vpop (xrf0);
	s0 =	sxor.u32 $0x80000000, s0  }
0x86: {  	v10 =	vadd.s32 s0, v10  }
0x87: {  	v11 =	vxor.u32 $0x80000000, v10  }
0x88: {  	v9 =	vsub.s32 v10, v9;
	(xrf0) =	vmax.scan.msk.u32 $0xffff, v11  }
0x89: {  	vm2 =	vge.s32 v9, v3  }
0x8a: {  	v11 =	vsub.s32 v9, v3;
	vm1 =	vmand vm1, vm2;
	vm2 =	vlt.s32 v9, v0  }
0x8b: {  	v11 =	vand.u32 $0xFFFFFF80, v11;
	v9 =	vand.u32 $0x7F, v9;
	vm1 =	vmand vm2, vm1  }
0x8c: {  	v9 =	vor.u32 v9, v11;
	_ =	sdelay $0x1  }
0x8d: {  	v11, _, _ =	vpop (xrf0)  }
0x8e: {  	(v2sf) =	vpush v11, $0xF  }
0x8f: {  	v11 =	vor.u32 s18, v1  }
0x90: {  	s20 =	sadd.s32 $0x10, s20;
	[tilespmem:v9+s26+$0x0] =	vst.idx.msk vm1, v11  }
0x91: {  	v9 =	vld [tilespmem:s20+$0x0];
	_ =	sdelay $0x3  }
0x92: {  	vm1 =	vle.s32 v10, v3  }
0x93: {  	v10 =	vsel vm1, $0x1, v4;
	vm1 =	vgt.s32 v9, $0x0  }
0x94: {  	(xrf0) =	vadd.scan.msk.s32 $0xffff, v10;
	v9 =	vnsel vm1, $0x0, v9  }
0x95: {  	(xrf0) =	vadd.scan.msk.s32 $0xffff, v9;
	_ =	sdelay $0x3  }
0x96: {  	s21 =	spop (v2sf)  }
0x97: {  	v10, _, _ =	vpop (xrf0);
	s2 =	spop (v2sf)  }
0x98: {  	v11, _, _ =	vpop (xrf0);
	s2 =	sxor.u32 $0x80000000, s2  }
0x99: {  	v11 =	vadd.s32 s2, v11  }
0x9a: {  	vm2 =	vle.s32 v11, v3;
	v12 =	vxor.u32 $0x80000000, v11  }
0x9b: {  	(xrf0) =	vmax.scan.msk.u32 $0xffff, v12;
	v61 =	vsel vm2, $0x1, v4  }
0x9c: {  	v9 =	vsub.s32 v11, v9;
	(xrf0) =	vadd.scan.msk.s32 $0xffff, v61  }
0x9d: {  	vm2 =	vge.s32 v9, v3  }
0x9e: {  	v11 =	vsub.s32 v9, v3;
	vm1 =	vmand vm1, vm2;
	vm2 =	vlt.s32 v9, v0  }
0x9f: {  	v11 =	vand.u32 $0xFFFFFF80, v11;
	v9 =	vand.u32 $0x7F, v9;
	vm1 =	vmand vm2, vm1  }
0xa0: {  	v9 =	vor.u32 v9, v11  }
0xa1: {  	(v2sf) =	vpush v10, $0xF;
	v10, _, _ =	vpop (xrf0)  }
0xa2: {  	v11, _, _ =	vpop (xrf0);
	(v2sf) =	vpush v10, $0xF  }
0xa3: {  	(v2sf) =	vpush v11, $0xF  }
0xa4: {  	v10 =	vor.u32 s11, v1  }
0xa5: {  	s24 =	simm.s32 $0x0;
	[tilespmem:v9+s26+$0x0] =	vst.idx.msk vm1, v10  }
0xa6: {  	v9 =	vld [tilespmem:s24+$0x200];
	_ =	sdelay $0x4  }
0xa7: {  	v9 =	vxor.u32 $0x80000000, v9  }
0xa8: {  	(xrf0) =	vmax.scan.msk.u32 $0xffff, v9;
	_ =	sdelay $0x3  }
0xa9: {  	s10 =	spop (v2sf)  }
0xaa: {  	s0 =	sadd.s32 s9, s21;
	s29 =	spop (v2sf)  }
0xab: {  	s0 =	sadd.s32 s0, s10;
	v9, _, _ =	vpop (xrf0);
	s30 =	spop (v2sf)  }
0xac: {  	v9 =	vxor.u32 $0x80000000, v9;
	s0 =	sadd.s32 s0, s30  }
0xad: {  	vm1 =	vgt.s32 v9, s0  }
0xae: {  	v10 =	vnsel vm1, s0, v9  }
0xaf: {  	v9 =	vxor.u32 $0x80000000, v10  }
0xb0: {  	(xrf0) =	vmax.scan.msk.u32 $0xffff, v9;
	_ =	sdelay $0x2  }
0xb1: {  	s9 =	sxor.u32 $0x80000000, s29  }
0xb2: {  	v11 =	vor.u32 s5, v1;
	v9 =	vmov s9  }
0xb3: {  	vm1 =	vlt.s32 v11, v9  }
0xb4: {  	s11 =	sadd.s32 $0x10, s5;
	v11 =	vand.u32 $0x7F, v11;
	v62 =	vsel vm1, $0x1, v4;
	v63, _, _ =	vpop (xrf0)  }
0xb5: {  	v11 =	vsel vm1, v10, v11;
	v10 =	vor.u32 s11, v1;
	(v2sf) =	vpush v63, $0xF  }
0xb6: {  	[tilespmem:s24+$0xA00] =	vst v62;
	v11 =	vadd.s32 v2, v11;
	vm1 =	vlt.s32 v10, v9  }
0xb7: {  	s18 =	simm.s32 $0x10;
	s20 =	simm.s32 $0x80;
	[tilespmem:s24+$0x600] =	vst v11;
	v11 =	vsel vm1, $0x1, v4  }
.LBB2_6:
0xb8: {  	p0 =	sne.s32 s20, $0x1C0;
	v12 =	vld [tilespmem:s18+$0x200];
	[tilespmem:s18+$0xA00] =	vst v11;
	_ =	sdelay $0x4  }
0xb9: {  	v11 =	vxor.u32 $0x80000000, v12  }
0xba: {  	(xrf0) =	vmax.scan.msk.u32 $0xffff, v11;
	_ =	sdelay $0x5  }
0xbb: {  	v11, _, _ =	vpop (xrf0);
	s0 =	spop (v2sf)  }
0xbc: {  	v11 =	vxor.u32 $0x80000000, v11;
	s0 =	sxor.u32 $0x80000000, s0  }
0xbd: {  	vm2 =	vgt.s32 v11, s0  }
0xbe: {  	v10 =	vand.u32 $0x7F, v10;
	v11 =	vnsel vm2, s0, v11  }
0xbf: {  	v10 =	vsel vm1, v11, v10;
	v11 =	vxor.u32 $0x80000000, v11  }
0xc0: {  	v10 =	vadd.s32 v2, v10;
	(xrf0) =	vmax.scan.msk.u32 $0xffff, v11  }
0xc1: {  	[tilespmem:s18+$0x600] =	vst v10;
	_ =	sdelay $0x3  }
.Ltmp4:
0xc2: {  	(pc) =	sbr.rel @p0 .LBB2_6-.Ltmp4, $4  }
0xc3: {  	s11 =	sadd.s32 $0x10, s11;
	v11, _, _ =	vpop (xrf0)  }
0xc4: {  	v10 =	vor.u32 s11, v1;
	(v2sf) =	vpush v11, $0xF  }
0xc5: {  	vm1 =	vlt.s32 v10, v9  }
0xc6: {  	s18 =	sshra.s32 s20, $0x2;
	s20 =	sadd.s32 $0x40, s20;
	v11 =	vsel vm1, $0x1, v4  }
0xc7: {  	v12 =	vld [tilespmem:s18+$0x200];
	_ =	sdelay $0x4  }
0xc8: {  	v12 =	vxor.u32 $0x80000000, v12  }
0xc9: {  	(xrf0) =	vmax.scan.msk.u32 $0xffff, v12;
	_ =	sdelay $0x5  }
0xca: {  	v12, _, _ =	vpop (xrf0);
	s0 =	spop (v2sf)  }
0xcb: {  	v12 =	vxor.u32 $0x80000000, v12;
	s0 =	sxor.u32 $0x80000000, s0  }
0xcc: {  	vm2 =	vgt.s32 v12, s0  }
0xcd: {  	v12 =	vnsel vm2, s0, v12  }
0xce: {  	v13 =	vxor.u32 $0x80000000, v12  }
0xcf: {  	(xrf0) =	vmax.scan.msk.u32 $0xffff, v13;
	_ =	sdelay $0x5  }
0xd0: {  	v13, _, _ =	vpop (xrf0)  }
0xd1: {  	(v2sf) =	vpush v13, $0xF;
	_ =	sdelay $0x9  }
0xd2: {  	s24 =	ssub.s32 s9, s5  }
0xd3: {  	p0 =	slt.s32 s24, $0x1  }
.Ltmp5:
0xd4: {  	_ = 	snop;
	(pc) =	sbr.rel @p0 .LBB2_9-.Ltmp5, $4  }
0xd5: {  	v10 =	vand.u32 $0x7F, v10  }
0xd6: {  	s0 =	simm.s32 @!p0 $0x0;
	v10 =	vsel vm1, v12, v10  }
0xd7: {  	[tilespmem:s18+$0xA00] =	vst v11;
	s0 =	simm.s32 @p0 $0x1;
	v10 =	vadd.s32 v2, v10;
	s30 =	spop (v2sf)  }
0xd8: {  	[smem:$0x7FD] =	sst s0;
	[tilespmem:s18+$0x600] =	vst v10;
	s9 =	sxor.u32 $0x80000000, s30  }
0xd9: {  	v10 =	vld [tilespmem:$0x600];
	_ =	sdelay $0x4  }
0xda: {  	v11 =	vshll.u32 v10, $0x1  }
0xdb: {  	v10 =	vand.u32 $0x7, v10;
	v11 =	vand.u32 $0xFFFFFFF0, v11  }
0xdc: {  	v10 =	vor.u32 v10, v11  }
0xdd: {  	v11 =	vperm.xlane v10, v5;
	_ =	sdelay $0x1  }
0xde: {  	v10 =	vperm.xlane v10, v7;
	v11 =	vadd.s32 v6, v11;
	_ =	sdelay $0x1  }
0xdf: {  	v10 =	vadd.s32 v6, v10;
	_ =	sdelay $0x2  }
0xe0: {  	[tilespmem:s12], [sflag:$0x1] =	stream.indirect_vreg.gather [hbm4b:s1+s4], $0x80, v11, vm0, $0xb8;
	[tilespmem:$0x18E00] =	vst v63  }
0xe1: {  	s0 =	simm.s32 $0x1600  }
0xe2: {  	[tilespmem:s0], [sflag:$0x1] =	stream.indirect_vreg.gather [hbm4b:s1+s4], $0x80, v10, vm0, $0xb8;
	[tilespmem:$0x18E00] =	vst v63  }
0xe3: {  	v10 =	vld [tilespmem:$0x610];
	_ =	sdelay $0x4  }
0xe4: {  	v11 =	vshll.u32 v10, $0x1  }
0xe5: {  	v10 =	vand.u32 $0x7, v10;
	v11 =	vand.u32 $0xFFFFFFF0, v11  }
0xe6: {  	v10 =	vor.u32 v10, v11  }
0xe7: {  	v11 =	vperm.xlane v10, v5;
	_ =	sdelay $0x1  }
0xe8: {  	v10 =	vperm.xlane v10, v7;
	v11 =	vadd.s32 v6, v11;
	_ =	sdelay $0x1  }
0xe9: {  	v10 =	vadd.s32 v6, v10;
	_ =	sdelay $0x1  }
0xea: {  	s20 =	simm.s32 $0x1E00  }
0xeb: {  	[tilespmem:s20], [sflag:$0x1] =	stream.indirect_vreg.gather [hbm4b:s1+s4], $0x80, v11, vm0, $0xb8;
	[tilespmem:$0x18E00] =	vst v63  }
0xec: {  	s21 =	simm.s32 $0x2600  }
0xed: {  	[tilespmem:s21], [sflag:$0x1] =	stream.indirect_vreg.gather [hbm4b:s1+s4], $0x80, v10, vm0, $0xb8;
	[tilespmem:$0x18E00] =	vst v63  }
0xee: {  	v10 =	vld [tilespmem:$0x620];
	_ =	sdelay $0x4  }
0xef: {  	v11 =	vshll.u32 v10, $0x1  }
0xf0: {  	v10 =	vand.u32 $0x7, v10;
	v11 =	vand.u32 $0xFFFFFFF0, v11  }
0xf1: {  	v10 =	vor.u32 v10, v11  }
0xf2: {  	v11 =	vperm.xlane v10, v5;
	_ =	sdelay $0x1  }
0xf3: {  	v10 =	vperm.xlane v10, v7;
	v11 =	vadd.s32 v6, v11;
	_ =	sdelay $0x1  }
0xf4: {  	v10 =	vadd.s32 v6, v10;
	_ =	sdelay $0x1  }
0xf5: {  	s29 =	simm.s32 $0x2E00  }
0xf6: {  	[tilespmem:s29], [sflag:$0x1] =	stream.indirect_vreg.gather [hbm4b:s1+s4], $0x80, v11, vm0, $0xb8;
	[tilespmem:$0x18E00] =	vst v63  }
0xf7: {  	s30 =	simm.s32 $0x3600  }
0xf8: {  	[tilespmem:s30], [sflag:$0x1] =	stream.indirect_vreg.gather [hbm4b:s1+s4], $0x80, v10, vm0, $0xb8;
	[tilespmem:$0x18E00] =	vst v63  }
0xf9: {  	v10 =	vld [tilespmem:$0x630];
	_ =	sdelay $0x4  }
0xfa: {  	v11 =	vshll.u32 v10, $0x1  }
0xfb: {  	v10 =	vand.u32 $0x7, v10;
	v11 =	vand.u32 $0xFFFFFFF0, v11  }
0xfc: {  	v10 =	vor.u32 v10, v11  }
0xfd: {  	v11 =	vperm.xlane v10, v5;
	_ =	sdelay $0x1  }
0xfe: {  	v10 =	vperm.xlane v10, v7;
	v11 =	vadd.s32 v6, v11;
	_ =	sdelay $0x1  }
0xff: {  	v10 =	vadd.s32 v6, v10;
	_ =	sdelay $0x1  }
0x100: {  	s2 =	simm.s32 $0x3E00  }
0x101: {  	[tilespmem:s2], [sflag:$0x1] =	stream.indirect_vreg.gather [hbm4b:s1+s4], $0x80, v11, vm0, $0xb8;
	[tilespmem:$0x18E00] =	vst v63  }
0x102: {  	s10 =	simm.s32 $0x4600  }
0x103: {  	[tilespmem:s10], [sflag:$0x1] =	stream.indirect_vreg.gather [hbm4b:s1+s4], $0x80, v10, vm0, $0xb8;
	[tilespmem:$0x18E00] =	vst v63  }
0x104: {  	v10 =	vld [tilespmem:$0x640];
	_ =	sdelay $0x4  }
0x105: {  	v11 =	vshll.u32 v10, $0x1  }
0x106: {  	v10 =	vand.u32 $0x7, v10;
	v11 =	vand.u32 $0xFFFFFFF0, v11  }
0x107: {  	v10 =	vor.u32 v10, v11  }
0x108: {  	v11 =	vperm.xlane v10, v5;
	_ =	sdelay $0x1  }
0x109: {  	v10 =	vperm.xlane v10, v7;
	v11 =	vadd.s32 v6, v11;
	_ =	sdelay $0x1  }
0x10a: {  	v10 =	vadd.s32 v6, v10;
	_ =	sdelay $0x1  }
0x10b: {  	s11 =	simm.s32 $0x4E00  }
0x10c: {  	[tilespmem:s11], [sflag:$0x1] =	stream.indirect_vreg.gather [hbm4b:s1+s4], $0x80, v11, vm0, $0xb8;
	[tilespmem:$0x18E00] =	vst v63  }
0x10d: {  	s18 =	simm.s32 $0x5600  }
0x10e: {  	[tilespmem:s18], [sflag:$0x1] =	stream.indirect_vreg.gather [hbm4b:s1+s4], $0x80, v10, vm0, $0xb8;
	[tilespmem:$0x18E00] =	vst v63  }
0x10f: {  	v10 =	vld [tilespmem:$0x650];
	_ =	sdelay $0x4  }
0x110: {  	v11 =	vshll.u32 v10, $0x1  }
0x111: {  	v10 =	vand.u32 $0x7, v10;
	v11 =	vand.u32 $0xFFFFFFF0, v11  }
0x112: {  	v10 =	vor.u32 v10, v11  }
0x113: {  	v11 =	vperm.xlane v10, v5;
	_ =	sdelay $0x1  }
0x114: {  	v10 =	vperm.xlane v10, v7;
	v11 =	vadd.s32 v6, v11;
	_ =	sdelay $0x1  }
0x115: {  	v10 =	vadd.s32 v6, v10;
	_ =	sdelay $0x1  }
0x116: {  	s20 =	simm.s32 $0x5E00  }
0x117: {  	[tilespmem:s20], [sflag:$0x1] =	stream.indirect_vreg.gather [hbm4b:s1+s4], $0x80, v11, vm0, $0xb8;
	[tilespmem:$0x18E00] =	vst v63  }
0x118: {  	s21 =	simm.s32 $0x6600  }
0x119: {  	[tilespmem:s21], [sflag:$0x1] =	stream.indirect_vreg.gather [hbm4b:s1+s4], $0x80, v10, vm0, $0xb8;
	[tilespmem:$0x18E00] =	vst v63  }
0x11a: {  	v10 =	vld [tilespmem:$0x660];
	_ =	sdelay $0x4  }
0x11b: {  	v11 =	vshll.u32 v10, $0x1  }
0x11c: {  	v10 =	vand.u32 $0x7, v10;
	v11 =	vand.u32 $0xFFFFFFF0, v11  }
0x11d: {  	v10 =	vor.u32 v10, v11  }
0x11e: {  	v11 =	vperm.xlane v10, v5;
	_ =	sdelay $0x1  }
0x11f: {  	v10 =	vperm.xlane v10, v7;
	v11 =	vadd.s32 v6, v11;
	_ =	sdelay $0x1  }
0x120: {  	v10 =	vadd.s32 v6, v10;
	_ =	sdelay $0x1  }
0x121: {  	s29 =	simm.s32 $0x6E00  }
0x122: {  	[tilespmem:s29], [sflag:$0x1] =	stream.indirect_vreg.gather [hbm4b:s1+s4], $0x80, v11, vm0, $0xb8;
	[tilespmem:$0x18E00] =	vst v63  }
0x123: {  	s30 =	simm.s32 $0x7600  }
0x124: {  	[tilespmem:s30], [sflag:$0x1] =	stream.indirect_vreg.gather [hbm4b:s1+s4], $0x80, v10, vm0, $0xb8;
	[tilespmem:$0x18E00] =	vst v63  }
0x125: {  	v10 =	vld [tilespmem:$0x670];
	_ =	sdelay $0x4  }
0x126: {  	v11 =	vshll.u32 v10, $0x1  }
0x127: {  	v10 =	vand.u32 $0x7, v10;
	v11 =	vand.u32 $0xFFFFFFF0, v11  }
0x128: {  	v10 =	vor.u32 v10, v11  }
0x129: {  	v11 =	vperm.xlane v10, v5;
	_ =	sdelay $0x1  }
0x12a: {  	v10 =	vperm.xlane v10, v7;
	v11 =	vadd.s32 v6, v11;
	_ =	sdelay $0x1  }
0x12b: {  	v10 =	vadd.s32 v6, v10;
	_ =	sdelay $0x2  }
0x12c: {  	[tilespmem:s15], [sflag:$0x1] =	stream.indirect_vreg.gather [hbm4b:s1+s4], $0x80, v11, vm0, $0xb8;
	[tilespmem:$0x18E00] =	vst v63  }
0x12d: {  	_ = 	snop  }
0x12e: {  	[tilespmem:s16], [sflag:$0x1] =	stream.indirect_vreg.gather [hbm4b:s1+s4], $0x80, v10, vm0, $0xb8;
	[tilespmem:$0x18E00] =	vst v63  }
.LBB2_9:
0x12f: {  	s0 =	simm.s32 $0x0  }
0x130: {  	v10 =	vld [tilespmem:s0+$0x280];
	_ =	sdelay $0x4  }
0x131: {  	v10 =	vxor.u32 $0x80000000, v10  }
0x132: {  	(xrf0) =	vmax.scan.msk.u32 $0xffff, v10;
	_ =	sdelay $0x5  }
0x133: {  	v10, _, _ =	vpop (xrf0)  }
0x134: {  	v10 =	vxor.u32 $0x80000000, v10  }
0x135: {  	vm1 =	vgt.s32 v10, s9  }
0x136: {  	v10 =	vnsel vm1, s9, v10  }
0x137: {  	v11 =	vxor.u32 $0x80000000, v10  }
0x138: {  	(xrf0) =	vmax.scan.msk.u32 $0xffff, v11;
	_ =	sdelay $0x2  }
0x139: {  	s2 =	rddreg [dreg:$0x10]  }
0x13a: {  	v11 =	vor.u32 s2, v1  }
0x13b: {  	vm1 =	vlt.s32 v11, v9  }
0x13c: {  	s9 =	sadd.s32 $0x10, s2;
	v11 =	vand.u32 $0xFF, v11;
	v12 =	vsel vm1, $0x1, v4;
	v63, _, _ =	vpop (xrf0)  }
0x13d: {  	p1 =	sgt.s32 s24, $0x0;
	s2 =	smov.u32 s24;
	v11 =	vsel vm1, v10, v11;
	v10 =	vor.u32 s9, v1;
	(v2sf) =	vpush v63, $0xF  }
0x13e: {  	s2 =	simm.s32 @!p1 $0x0;
	[tilespmem:s0+$0xA80] =	vst v12;
	v11 =	vadd.s32 v2, v11;
	vm1 =	vlt.s32 v10, v9  }
0x13f: {  	s11 =	simm.s32 $0x10;
	s20 =	simm.s32 $0x80;
	s18 =	smin.u32 s2, $0x400;
	[tilespmem:s0+$0x680] =	vst v11;
	v11 =	vsel vm1, $0x1, v4  }
.LBB2_10:
0x140: {  	p2 =	sne.s32 s20, $0x1C0;
	v12 =	vld [tilespmem:s11+$0x280];
	[tilespmem:s11+$0xA80] =	vst v11;
	_ =	sdelay $0x4  }
0x141: {  	v11 =	vxor.u32 $0x80000000, v12  }
0x142: {  	(xrf0) =	vmax.scan.msk.u32 $0xffff, v11;
	_ =	sdelay $0x5  }
0x143: {  	v11, _, _ =	vpop (xrf0);
	s0 =	spop (v2sf)  }
0x144: {  	v11 =	vxor.u32 $0x80000000, v11;
	s0 =	sxor.u32 $0x80000000, s0  }
0x145: {  	vm2 =	vgt.s32 v11, s0  }
0x146: {  	v10 =	vand.u32 $0xFF, v10;
	v11 =	vnsel vm2, s0, v11  }
0x147: {  	v10 =	vsel vm1, v11, v10;
	v11 =	vxor.u32 $0x80000000, v11  }
0x148: {  	v10 =	vadd.s32 v2, v10;
	(xrf0) =	vmax.scan.msk.u32 $0xffff, v11  }
0x149: {  	[tilespmem:s11+$0x680] =	vst v10;
	_ =	sdelay $0x3  }
.Ltmp6:
0x14a: {  	(pc) =	sbr.rel @p2 .LBB2_10-.Ltmp6, $4  }
0x14b: {  	s9 =	sadd.s32 $0x10, s9;
	v11, _, _ =	vpop (xrf0)  }
0x14c: {  	v10 =	vor.u32 s9, v1;
	(v2sf) =	vpush v11, $0xF  }
0x14d: {  	vm1 =	vlt.s32 v10, v9  }
0x14e: {  	s11 =	sshra.s32 s20, $0x2;
	s20 =	sadd.s32 $0x40, s20;
	v11 =	vsel vm1, $0x1, v4  }
0x14f: {  	v12 =	vld [tilespmem:s11+$0x280];
	_ =	sdelay $0x4  }
0x150: {  	v12 =	vxor.u32 $0x80000000, v12  }
0x151: {  	(xrf0) =	vmax.scan.msk.u32 $0xffff, v12;
	_ =	sdelay $0x5  }
0x152: {  	v12, _, _ =	vpop (xrf0);
	s0 =	spop (v2sf)  }
0x153: {  	v12 =	vxor.u32 $0x80000000, v12;
	s0 =	sxor.u32 $0x80000000, s0  }
0x154: {  	vm2 =	vgt.s32 v12, s0  }
0x155: {  	v12 =	vnsel vm2, s0, v12  }
0x156: {  	v13 =	vxor.u32 $0x80000000, v12  }
0x157: {  	(xrf0) =	vmax.scan.msk.u32 $0xffff, v13;
	_ =	sdelay $0x5  }
0x158: {  	v13, _, _ =	vpop (xrf0)  }
0x159: {  	(v2sf) =	vpush v13, $0xF;
	_ =	sdelay $0xa  }
0x15a: {  	p0 =	slt.s32 s24, $0x81  }
.Ltmp7:
0x15b: {  	_ = 	snop;
	(pc) =	sbr.rel @p0 .LBB2_13-.Ltmp7, $4  }
0x15c: {  	v10 =	vand.u32 $0xFF, v10  }
0x15d: {  	v10 =	vsel vm1, v12, v10  }
0x15e: {  	[tilespmem:s11+$0xA80] =	vst v11;
	v10 =	vadd.s32 v2, v10;
	s30 =	spop (v2sf)  }
0x15f: {  	[tilespmem:s11+$0x680] =	vst v10;
	s9 =	sxor.u32 $0x80000000, s30  }
0x160: {  	v10 =	vld [tilespmem:$0x680];
	_ =	sdelay $0x4  }
0x161: {  	v11 =	vshll.u32 v10, $0x1  }
0x162: {  	v10 =	vand.u32 $0x7, v10;
	v11 =	vand.u32 $0xFFFFFFF0, v11  }
0x163: {  	v10 =	vor.u32 v10, v11  }
0x164: {  	v11 =	vperm.xlane v10, v5;
	_ =	sdelay $0x1  }
0x165: {  	v10 =	vperm.xlane v10, v7;
	v11 =	vadd.s32 v6, v11;
	_ =	sdelay $0x1  }
0x166: {  	v10 =	vadd.s32 v6, v10;
	_ =	sdelay $0x2  }
0x167: {  	[tilespmem:s28], [sflag:$0x2] =	stream.indirect_vreg.gather [hbm4b:s1+s4], $0x80, v11, vm0, $0xb8;
	[tilespmem:$0x18E00] =	vst v63  }
0x168: {  	_ = 	snop  }
0x169: {  	[tilespmem:s31], [sflag:$0x2] =	stream.indirect_vreg.gather [hbm4b:s1+s4], $0x80, v10, vm0, $0xb8;
	[tilespmem:$0x18E00] =	vst v63  }
0x16a: {  	v10 =	vld [tilespmem:$0x690];
	_ =	sdelay $0x4  }
0x16b: {  	v11 =	vshll.u32 v10, $0x1  }
0x16c: {  	v10 =	vand.u32 $0x7, v10;
	v11 =	vand.u32 $0xFFFFFFF0, v11  }
0x16d: {  	v10 =	vor.u32 v10, v11  }
0x16e: {  	v11 =	vperm.xlane v10, v5;
	_ =	sdelay $0x1  }
0x16f: {  	v10 =	vperm.xlane v10, v7;
	v11 =	vadd.s32 v6, v11;
	_ =	sdelay $0x1  }
0x170: {  	v10 =	vadd.s32 v6, v10;
	_ =	sdelay $0x1  }
0x171: {  	s0 =	simm.s32 $0x9E00  }
0x172: {  	[tilespmem:s0], [sflag:$0x2] =	stream.indirect_vreg.gather [hbm4b:s1+s4], $0x80, v11, vm0, $0xb8;
	[tilespmem:$0x18E00] =	vst v63  }
0x173: {  	s10 =	simm.s32 $0xA600  }
0x174: {  	[tilespmem:s10], [sflag:$0x2] =	stream.indirect_vreg.gather [hbm4b:s1+s4], $0x80, v10, vm0, $0xb8;
	[tilespmem:$0x18E00] =	vst v63  }
0x175: {  	v10 =	vld [tilespmem:$0x6A0];
	_ =	sdelay $0x4  }
0x176: {  	v11 =	vshll.u32 v10, $0x1  }
0x177: {  	v10 =	vand.u32 $0x7, v10;
	v11 =	vand.u32 $0xFFFFFFF0, v11  }
0x178: {  	v10 =	vor.u32 v10, v11  }
0x179: {  	v11 =	vperm.xlane v10, v5;
	_ =	sdelay $0x1  }
0x17a: {  	v10 =	vperm.xlane v10, v7;
	v11 =	vadd.s32 v6, v11;
	_ =	sdelay $0x1  }
0x17b: {  	v10 =	vadd.s32 v6, v10;
	_ =	sdelay $0x1  }
0x17c: {  	s11 =	simm.s32 $0xAE00  }
0x17d: {  	[tilespmem:s11], [sflag:$0x2] =	stream.indirect_vreg.gather [hbm4b:s1+s4], $0x80, v11, vm0, $0xb8;
	[tilespmem:$0x18E00] =	vst v63  }
0x17e: {  	s20 =	simm.s32 $0xB600  }
0x17f: {  	[tilespmem:s20], [sflag:$0x2] =	stream.indirect_vreg.gather [hbm4b:s1+s4], $0x80, v10, vm0, $0xb8;
	[tilespmem:$0x18E00] =	vst v63  }
0x180: {  	v10 =	vld [tilespmem:$0x6B0];
	_ =	sdelay $0x4  }
0x181: {  	v11 =	vshll.u32 v10, $0x1  }
0x182: {  	v10 =	vand.u32 $0x7, v10;
	v11 =	vand.u32 $0xFFFFFFF0, v11  }
0x183: {  	v10 =	vor.u32 v10, v11  }
0x184: {  	v11 =	vperm.xlane v10, v5;
	_ =	sdelay $0x1  }
0x185: {  	v10 =	vperm.xlane v10, v7;
	v11 =	vadd.s32 v6, v11;
	_ =	sdelay $0x1  }
0x186: {  	v10 =	vadd.s32 v6, v10;
	_ =	sdelay $0x1  }
0x187: {  	s21 =	simm.s32 $0xBE00  }
0x188: {  	[tilespmem:s21], [sflag:$0x2] =	stream.indirect_vreg.gather [hbm4b:s1+s4], $0x80, v11, vm0, $0xb8;
	[tilespmem:$0x18E00] =	vst v63  }
0x189: {  	s29 =	simm.s32 $0xC600  }
0x18a: {  	[tilespmem:s29], [sflag:$0x2] =	stream.indirect_vreg.gather [hbm4b:s1+s4], $0x80, v10, vm0, $0xb8;
	[tilespmem:$0x18E00] =	vst v63  }
0x18b: {  	v10 =	vld [tilespmem:$0x6C0];
	_ =	sdelay $0x4  }
0x18c: {  	v11 =	vshll.u32 v10, $0x1  }
0x18d: {  	v10 =	vand.u32 $0x7, v10;
	v11 =	vand.u32 $0xFFFFFFF0, v11  }
0x18e: {  	v10 =	vor.u32 v10, v11  }
0x18f: {  	v11 =	vperm.xlane v10, v5;
	_ =	sdelay $0x1  }
0x190: {  	v10 =	vperm.xlane v10, v7;
	v11 =	vadd.s32 v6, v11;
	_ =	sdelay $0x1  }
0x191: {  	v10 =	vadd.s32 v6, v10;
	_ =	sdelay $0x1  }
0x192: {  	s30 =	simm.s32 $0xCE00  }
0x193: {  	[tilespmem:s30], [sflag:$0x2] =	stream.indirect_vreg.gather [hbm4b:s1+s4], $0x80, v11, vm0, $0xb8;
	[tilespmem:$0x18E00] =	vst v63  }
0x194: {  	s2 =	simm.s32 $0xD600  }
0x195: {  	[tilespmem:s2], [sflag:$0x2] =	stream.indirect_vreg.gather [hbm4b:s1+s4], $0x80, v10, vm0, $0xb8;
	[tilespmem:$0x18E00] =	vst v63  }
0x196: {  	v10 =	vld [tilespmem:$0x6D0];
	_ =	sdelay $0x4  }
0x197: {  	v11 =	vshll.u32 v10, $0x1  }
0x198: {  	v10 =	vand.u32 $0x7, v10;
	v11 =	vand.u32 $0xFFFFFFF0, v11  }
0x199: {  	v10 =	vor.u32 v10, v11  }
0x19a: {  	v11 =	vperm.xlane v10, v5;
	_ =	sdelay $0x1  }
0x19b: {  	v10 =	vperm.xlane v10, v7;
	v11 =	vadd.s32 v6, v11;
	_ =	sdelay $0x1  }
0x19c: {  	v10 =	vadd.s32 v6, v10;
	_ =	sdelay $0x1  }
0x19d: {  	s10 =	simm.s32 $0xDE00  }
0x19e: {  	[tilespmem:s10], [sflag:$0x2] =	stream.indirect_vreg.gather [hbm4b:s1+s4], $0x80, v11, vm0, $0xb8;
	[tilespmem:$0x18E00] =	vst v63  }
0x19f: {  	s11 =	simm.s32 $0xE600  }
0x1a0: {  	[tilespmem:s11], [sflag:$0x2] =	stream.indirect_vreg.gather [hbm4b:s1+s4], $0x80, v10, vm0, $0xb8;
	[tilespmem:$0x18E00] =	vst v63  }
0x1a1: {  	v10 =	vld [tilespmem:$0x6E0];
	_ =	sdelay $0x4  }
0x1a2: {  	v11 =	vshll.u32 v10, $0x1  }
0x1a3: {  	v10 =	vand.u32 $0x7, v10;
	v11 =	vand.u32 $0xFFFFFFF0, v11  }
0x1a4: {  	v10 =	vor.u32 v10, v11  }
0x1a5: {  	v11 =	vperm.xlane v10, v5;
	_ =	sdelay $0x1  }
0x1a6: {  	v10 =	vperm.xlane v10, v7;
	v11 =	vadd.s32 v6, v11;
	_ =	sdelay $0x1  }
0x1a7: {  	v10 =	vadd.s32 v6, v10;
	_ =	sdelay $0x1  }
0x1a8: {  	s20 =	simm.s32 $0xEE00  }
0x1a9: {  	[tilespmem:s20], [sflag:$0x2] =	stream.indirect_vreg.gather [hbm4b:s1+s4], $0x80, v11, vm0, $0xb8;
	[tilespmem:$0x18E00] =	vst v63  }
0x1aa: {  	s21 =	simm.s32 $0xF600  }
0x1ab: {  	[tilespmem:s21], [sflag:$0x2] =	stream.indirect_vreg.gather [hbm4b:s1+s4], $0x80, v10, vm0, $0xb8;
	[tilespmem:$0x18E00] =	vst v63  }
0x1ac: {  	v10 =	vld [tilespmem:$0x6F0];
	_ =	sdelay $0x4  }
0x1ad: {  	v11 =	vshll.u32 v10, $0x1  }
0x1ae: {  	v10 =	vand.u32 $0x7, v10;
	v11 =	vand.u32 $0xFFFFFFF0, v11  }
0x1af: {  	v10 =	vor.u32 v10, v11  }
0x1b0: {  	v11 =	vperm.xlane v10, v5;
	_ =	sdelay $0x1  }
0x1b1: {  	v10 =	vperm.xlane v10, v7;
	v11 =	vadd.s32 v6, v11;
	_ =	sdelay $0x1  }
0x1b2: {  	v10 =	vadd.s32 v6, v10;
	_ =	sdelay $0x1  }
0x1b3: {  	s29 =	simm.s32 $0xFE00  }
0x1b4: {  	[tilespmem:s29], [sflag:$0x2] =	stream.indirect_vreg.gather [hbm4b:s1+s4], $0x80, v11, vm0, $0xb8;
	[tilespmem:$0x18E00] =	vst v63  }
0x1b5: {  	s30 =	simm.s32 $0x10600  }
0x1b6: {  	[tilespmem:s30], [sflag:$0x2] =	stream.indirect_vreg.gather [hbm4b:s1+s4], $0x80, v10, vm0, $0xb8;
	[tilespmem:$0x18E00] =	vst v63  }
.LBB2_13:
.Ltmp8:
0x1b7: {  	(pc) =	sbr.rel @!p1 .LBB2_14-.Ltmp8, $4  }
0x1b8: {  	s0 =	simm.s32 $0x3  }
0x1b9: {  	_ =	swait.ge [sflag:s0], $0x8000  }
0x1ba: {  	[sflag:s0] =	ssyncset.done $0x0  }
0x1bb: {  	[sflag:s0] =	ssyncadd.s32 $0xFFFF8000  }
0x1bc: {  	p0 =	sgt.u32 s24, $0x80  }
.Ltmp9:
0x1bd: {  	_ = 	snop;
	(pc) =	sbr.rel @!p0 .LBB2_16-.Ltmp9, $1  }
0x1be: {  	_ =	sdelay $0x3  }
0x1bf: {  	p0 =	sgt.u32 s24, $0x100  }
.Ltmp10:
0x1c0: {  	_ = 	snop;
	(pc) =	sbr.rel @!p0 .LBB2_18-.Ltmp10, $2  }
0x1c1: {  	_ =	sdelay $0x2  }
0x1c2: {  	p6 =	por $0x1, $0x1  }
0x1c3: {  	p0 =	sgt.u32 s24, $0x180  }
.Ltmp11:
0x1c4: {  	_ = 	snop;
	(pc) =	sbr.rel @!p0 .LBB2_20-.Ltmp11, $2  }
0x1c5: {  	_ =	sdelay $0x2  }
0x1c6: {  	p6 =	por $0x1, $0x1;
	p4 =	por $0x1, $0x1  }
0x1c7: {  	p0 =	sgt.u32 s24, $0x200  }
.Ltmp12:
0x1c8: {  	_ = 	snop;
	(pc) =	sbr.rel @!p0 .LBB2_22-.Ltmp12, $2  }
0x1c9: {  	_ =	sdelay $0x2  }
0x1ca: {  	p4 =	por $0x1, $0x1;
	p6 =	por $0x1, $0x1;
	p3 =	por $0x1, $0x1  }
0x1cb: {  	p0 =	sgt.u32 s24, $0x280  }
.Ltmp13:
0x1cc: {  	_ = 	snop;
	(pc) =	sbr.rel @!p0 .LBB2_24-.Ltmp13, $3  }
0x1cd: {  	_ =	sdelay $0x1  }
0x1ce: {  	p3 =	por $0x1, $0x1  }
0x1cf: {  	p6 =	por $0x1, $0x1;
	p4 =	por $0x1, $0x1;
	p2 =	por $0x1, $0x1  }
0x1d0: {  	p0 =	sgt.u32 s24, $0x300  }
.Ltmp14:
0x1d1: {  	_ = 	snop;
	(pc) =	sbr.rel @!p0 .LBB2_26-.Ltmp14, $3  }
0x1d2: {  	_ =	sdelay $0x1  }
0x1d3: {  	p2 =	por $0x1, $0x1;
	p4 =	por $0x1, $0x1  }
0x1d4: {  	p6 =	por $0x1, $0x1;
	p3 =	por $0x1, $0x1;
	p1 =	por $0x1, $0x1  }
0x1d5: {  	p0 =	sgt.u32 s24, $0x380  }
0x1d6: {  	s0 =	simm.s32 @!p0 $0x0  }
0x1d7: {  	s0 =	simm.s32 @p0 $0x1  }
0x1d8: {  	p1 =	por $0x1, $0x1;
	[smem:$0x7FB] =	sst s0  }
0x1d9: {  	s2 =	simm.s32 @!p1 $0x0;
	s30 =	sld [smem:$0x7FB]  }
0x1da: {  	s2 =	simm.s32 @p1 $0x1;
	p1 =	por $0x1, $0x1  }
0x1db: {  	[smem:$0x7F9] =	sst s2;
	s2 =	simm.s32 @!p1 $0x0  }
0x1dc: {  	s29 =	simm.s32 $0x4;
	s2 =	simm.s32 @p1 $0x1;
	p1 =	seq.s32 s30, $0x1  }
.Ltmp15:
0x1dd: {  	p3 =	por $0x1, $0x1;
	p0 =	por $0x1, $0x1;
	(pc) =	sbr.rel @p1 .LBB2_29-.Ltmp15, $4  }
.Ltmp16:
0x1de: {  	p6 =	por $0x1, $0x1;
	s0 =	simm.s32 @!p0 $0x0;
	(pc) =	sbr.rel @!p1 .LBB2_28-.Ltmp16, $4  }
0x1df: {  	p4 =	por $0x1, $0x1;
	[dreg:$0x13] =	wrdreg s29;
	s0 =	simm.s32 @p0 $0x1  }
0x1e0: {  	p2 =	por $0x1, $0x1;
	p5 =	por $0x1, $0x1;
	[smem:$0x7FC] =	sst s0  }
0x1e1: {  	p0 =	por $0x1, $0x1;
	s0 =	simm.s32 $0x5;
	[smem:$0x7FA] =	sst s2  }
0x1e2: {  	_ = 	snop  }
.LBB2_14:
0x1e3: {  	s0 =	rddreg [dreg:$0x6]  }
0x1e4: {  	[hbm4b:s0+s4] =	stream.linear.scatter [tilespmem:s13], [sflag:$0x6], $0x8000, $0x38;
	[tilespmem:$0x18E00] =	vst v63  }
.LBB2_16:
0x1e5: {  	s0 =	rddreg [dreg:$0x9];
	p6 =	por $0x0, $0x0  }
0x1e6: {  	[hbm4b:s0+s4] =	stream.linear.scatter [tilespmem:s13], [sflag:$0x6], $0x8000, $0x38;
	[tilespmem:$0x18E00] =	vst v63  }
.LBB2_18:
0x1e7: {  	s0 =	rddreg [dreg:$0xa];
	p4 =	por $0x0, $0x0  }
0x1e8: {  	[hbm4b:s0+s4] =	stream.linear.scatter [tilespmem:s13], [sflag:$0x6], $0x8000, $0x38;
	[tilespmem:$0x18E00] =	vst v63  }
.LBB2_20:
0x1e9: {  	s0 =	rddreg [dreg:$0xb];
	p3 =	por $0x0, $0x0  }
0x1ea: {  	[hbm4b:s0+s4] =	stream.linear.scatter [tilespmem:s13], [sflag:$0x6], $0x8000, $0x38;
	[tilespmem:$0x18E00] =	vst v63  }
.LBB2_22:
0x1eb: {  	s0 =	rddreg [dreg:$0xc];
	p2 =	por $0x0, $0x0  }
0x1ec: {  	[hbm4b:s0+s4] =	stream.linear.scatter [tilespmem:s13], [sflag:$0x6], $0x8000, $0x38;
	[tilespmem:$0x18E00] =	vst v63  }
.LBB2_24:
0x1ed: {  	s0 =	rddreg [dreg:$0xd];
	p1 =	por $0x0, $0x0  }
0x1ee: {  	[hbm4b:s0+s4] =	stream.linear.scatter [tilespmem:s13], [sflag:$0x6], $0x8000, $0x38;
	[tilespmem:$0x18E00] =	vst v63  }
.LBB2_26:
0x1ef: {  	s0 =	simm.s32 @!p1 $0x0;
	s29 =	rddreg [dreg:$0xe];
	s30 =	simm.s32 $0x6  }
0x1f0: {  	[hbm4b:s29+s4] =	stream.linear.scatter [tilespmem:s13], [sflag:$0x6], $0x8000, $0x38;
	[tilespmem:$0x18E00] =	vst v63  }
0x1f1: {  	s0 =	simm.s32 @p1 $0x1;
	[dreg:$0x13] =	wrdreg s30  }
0x1f2: {  	[smem:$0x7FC] =	sst s0  }
.LBB2_28:
0x1f3: {  	s0 =	rddreg [dreg:$0xf];
	s2 =	simm.s32 @!p3 $0x0  }
0x1f4: {  	[hbm4b:s0+s4] =	stream.linear.scatter [tilespmem:s13], [sflag:$0x6], $0x8000, $0x38;
	[tilespmem:$0x18E00] =	vst v63  }
0x1f5: {  	s2 =	simm.s32 @p3 $0x1  }
0x1f6: {  	[smem:$0x7FA] =	sst s2;
	s2 =	simm.s32 @!p2 $0x0  }
0x1f7: {  	p5 =	por p6, p6;
	s2 =	simm.s32 @p2 $0x1  }
0x1f8: {  	p0 =	por p4, p4;
	s0 =	simm.s32 $0x6;
	[smem:$0x7F9] =	sst s2  }
.LBB2_29:
0x1f9: {  	s30 =	simm.s32 $0x100  }
0x1fa: {  	v10 =	vld [tilespmem:s30+$0x200];
	_ =	sdelay $0x4  }
0x1fb: {  	v10 =	vxor.u32 $0x80000000, v10  }
0x1fc: {  	(xrf0) =	vmax.scan.msk.u32 $0xffff, v10;
	_ =	sdelay $0x5  }
0x1fd: {  	v10, _, _ =	vpop (xrf0)  }
0x1fe: {  	v10 =	vxor.u32 $0x80000000, v10  }
0x1ff: {  	vm1 =	vgt.s32 v10, s9  }
0x200: {  	v10 =	vnsel vm1, s9, v10  }
0x201: {  	v11 =	vxor.u32 $0x80000000, v10  }
0x202: {  	(xrf0) =	vmax.scan.msk.u32 $0xffff, v11;
	_ =	sdelay $0x2  }
0x203: {  	s2 =	rddreg [dreg:$0x11]  }
0x204: {  	v11 =	vor.u32 s2, v1  }
0x205: {  	vm1 =	vlt.s32 v11, v9  }
0x206: {  	s9 =	sadd.s32 $0x10, s2;
	v11 =	vand.u32 $0x1FF, v11;
	v12 =	vsel vm1, $0x1, v4;
	v63, _, _ =	vpop (xrf0)  }
0x207: {  	v11 =	vsel vm1, v10, v11;
	v10 =	vor.u32 s9, v1;
	(v2sf) =	vpush v63, $0xF  }
0x208: {  	[tilespmem:s30+$0xA00] =	vst v12;
	v11 =	vadd.s32 v2, v11;
	vm1 =	vlt.s32 v10, v9  }
0x209: {  	[dreg:$0x14] =	wrdreg s0;
	s11 =	simm.s32 $0x110;
	s20 =	simm.s32 $0x480;
	[tilespmem:s30+$0x600] =	vst v11;
	v11 =	vsel vm1, $0x1, v4  }
.LBB2_30:
0x20a: {  	p6 =	sne.s32 s20, $0xFC0;
	v12 =	vld [tilespmem:s11+$0x200];
	[tilespmem:s11+$0xA00] =	vst v11;
	_ =	sdelay $0x4  }
0x20b: {  	v11 =	vxor.u32 $0x80000000, v12  }
0x20c: {  	(xrf0) =	vmax.scan.msk.u32 $0xffff, v11;
	_ =	sdelay $0x5  }
0x20d: {  	v11, _, _ =	vpop (xrf0);
	s0 =	spop (v2sf)  }
0x20e: {  	v11 =	vxor.u32 $0x80000000, v11;
	s0 =	sxor.u32 $0x80000000, s0  }
0x20f: {  	vm2 =	vgt.s32 v11, s0  }
0x210: {  	v10 =	vand.u32 $0x1FF, v10;
	v11 =	vnsel vm2, s0, v11  }
0x211: {  	v10 =	vsel vm1, v11, v10;
	v11 =	vxor.u32 $0x80000000, v11  }
0x212: {  	v10 =	vadd.s32 v2, v10;
	(xrf0) =	vmax.scan.msk.u32 $0xffff, v11  }
0x213: {  	[tilespmem:s11+$0x600] =	vst v10;
	_ =	sdelay $0x3  }
.Ltmp17:
0x214: {  	(pc) =	sbr.rel @p6 .LBB2_30-.Ltmp17, $4  }
0x215: {  	s9 =	sadd.s32 $0x10, s9;
	v11, _, _ =	vpop (xrf0)  }
0x216: {  	v10 =	vor.u32 s9, v1;
	(v2sf) =	vpush v11, $0xF  }
0x217: {  	vm1 =	vlt.s32 v10, v9  }
0x218: {  	s11 =	sshra.s32 s20, $0x2;
	s20 =	sadd.s32 $0x40, s20;
	v11 =	vsel vm1, $0x1, v4  }
0x219: {  	v9 =	vld [tilespmem:s11+$0x200];
	_ =	sdelay $0x4  }
0x21a: {  	v9 =	vxor.u32 $0x80000000, v9  }
0x21b: {  	(xrf0) =	vmax.scan.msk.u32 $0xffff, v9;
	_ =	sdelay $0x5  }
0x21c: {  	v9, _, _ =	vpop (xrf0);
	s0 =	spop (v2sf)  }
0x21d: {  	v9 =	vxor.u32 $0x80000000, v9;
	s0 =	sxor.u32 $0x80000000, s0  }
0x21e: {  	vm2 =	vgt.s32 v9, s0  }
0x21f: {  	v9 =	vnsel vm2, s0, v9  }
0x220: {  	v12 =	vxor.u32 $0x80000000, v9  }
0x221: {  	(xrf0) =	vmax.scan.msk.u32 $0xffff, v12;
	_ =	sdelay $0x5  }
0x222: {  	v12, _, _ =	vpop (xrf0)  }
0x223: {  	(v2sf) =	vpush v12, $0xF;
	_ =	sdelay $0x8  }
0x224: {  	v10 =	vand.u32 $0x1FF, v10  }
0x225: {  	v9 =	vsel vm1, v9, v10  }
0x226: {  	[tilespmem:s11+$0xA00] =	vst v11;
	v9 =	vadd.s32 v2, v9  }
0x227: {  	s2 =	simm.s32 $0xA00;
	s0 =	rddreg [dreg:$0x7];
	[tilespmem:s11+$0x600] =	vst v9  }
0x228: {  	[hbm4b:s0+s14] =	stream.strided.scatter [tilespmem:s2], [sflag:$0x7], $0x400, s22, s14, $0x38;
	[tilespmem:$0x18E00] =	vst v63  }
.Ltmp18:
0x229: {  	_ = 	snop;
	(pc) =	sbr.rel .LBB2_32-.Ltmp18, $4  }
0x22a: {  	s30 =	spop (v2sf)  }
0x22b: {  	s9 =	sshll.u32 s18, $0x7;
	_ =	swait.ge [sflag:s25], $0x400  }
0x22c: {  	s20 =	sadd.s32 $0xFFFFC000, s9;
	s11 =	sshll.u32 s18, $0x8;
	[sflag:s25] =	ssyncset.done $0x0  }
0x22d: {  	s21 =	sadd.s32 $0xFFFF8000, s11;
	[sflag:s25] =	ssyncadd.s32 $0xFFFFFC00;
	s25 =	simm.s32 $0x0  }
.LBB2_52:
0x22e: {  	s25 =	sadd.s32 $0x1, s25  }
0x22f: {  	p2 =	sne.s32 s25, $0x4  }
.Ltmp19:
0x230: {  	_ = 	snop;
	(pc) =	sbr.rel @!p2 .LBB2_53-.Ltmp19, $3  }
0x231: {  	_ =	sdelay $0x1  }
0x232: {  	s9 =	sadd.s32 $0xFFFF8000, s9  }
0x233: {  	s11 =	sadd.s32 $0xFFFF0000, s11;
	s20 =	sadd.s32 $0xFFFF8000, s20;
	s21 =	sadd.s32 $0xFFFF0000, s21  }
.LBB2_32:
0x234: {  	s22 =	sshll.u32 s25, $0x8  }
0x235: {  	p2 =	sle.u32 s18, s22  }
.Ltmp20:
0x236: {  	_ = 	snop;
	(pc) =	sbr.rel @p2 .LBB2_40-.Ltmp20, $2  }
0x237: {  	_ =	sdelay $0x2  }
0x238: {  	s29 =	sor.u32 $0x80, s22  }
0x239: {  	p2 =	sge.u32 s18, s29  }
.Ltmp21:
0x23a: {  	_ = 	snop;
	(pc) =	sbr.rel @p2 .LBB2_39-.Ltmp21, $4  }
0x23b: {  	_ = 	snop  }
0x23c: {  	_ =	swait.ge [sflag:s7], $0x8000  }
0x23d: {  	[sflag:s7] =	ssyncset.done $0x0  }
0x23e: {  	[sflag:s7] =	ssyncadd.s32 $0xFFFF8000  }
0x23f: {  	s0 =	ssub.s32 s18, s22  }
0x240: {  	s2 =	sadd.s32 $0x7, s0  }
0x241: {  	s30 =	sand.u32 $0xFFFFFFF8, s2  }
0x242: {  	p2 =	slt.s32 s30, $0x80  }
0x243: {  	s30 =	simm.s32 @!p2 $0x80  }
0x244: {  	p2 =	sge.s32 s0, s30  }
.Ltmp22:
0x245: {  	_ = 	snop;
	(pc) =	sbr.rel @p2 .LBB2_38-.Ltmp22, $1  }
0x246: {  	_ =	sdelay $0x3  }
0x247: {  	s2 =	sand.u32 $0xFFFFF800, s11;
	s10 =	sand.u32 $0x380, s9  }
0x248: {  	s31 =	sor.u32 s10, s2  }
0x249: {  	[tilespmem:s31+$0x1270] =	vst v8  }
0x24a: {  	[tilespmem:s31+$0xE00] =	vst v8  }
0x24b: {  	[tilespmem:s31+$0xE10] =	vst v8  }
0x24c: {  	[tilespmem:s31+$0xE20] =	vst v8  }
0x24d: {  	[tilespmem:s31+$0xE30] =	vst v8  }
0x24e: {  	[tilespmem:s31+$0xE40] =	vst v8  }
0x24f: {  	[tilespmem:s31+$0xE50] =	vst v8  }
0x250: {  	s2 =	sadd.s32 $0x1, s0;
	[tilespmem:s31+$0xE60] =	vst v8  }
0x251: {  	[tilespmem:s31+$0xE70] =	vst v8;
	p2 =	slt.s32 s2, s30  }
.Ltmp23:
0x252: {  	[tilespmem:s31+$0x1200] =	vst v8;
	(pc) =	sbr.rel @!p2 .LBB2_37-.Ltmp23, $4  }
0x253: {  	[tilespmem:s31+$0x1210] =	vst v8  }
0x254: {  	[tilespmem:s31+$0x1220] =	vst v8  }
0x255: {  	[tilespmem:s31+$0x1230] =	vst v8  }
0x256: {  	s0 =	sadd.s32 $0x80, s9;
	s10 =	sadd.s32 $0x100, s11;
	[tilespmem:s31+$0x1240] =	vst v8  }
.LBB2_36:
0x257: {  	s13 =	sand.u32 $0xFFFFF800, s10;
	s14 =	sand.u32 $0x380, s0;
	s2 =	sadd.s32 $0x1, s2;
	[tilespmem:s31+$0x1250] =	vst v8  }
0x258: {  	p3 =	slt.s32 s2, s30;
	[tilespmem:s31+$0x1260] =	vst v8;
	s31 =	sor.u32 s14, s13  }
0x259: {  	[tilespmem:s31+$0x1270] =	vst v8  }
0x25a: {  	[tilespmem:s31+$0xE00] =	vst v8  }
0x25b: {  	[tilespmem:s31+$0xE10] =	vst v8  }
0x25c: {  	[tilespmem:s31+$0xE20] =	vst v8  }
0x25d: {  	[tilespmem:s31+$0xE30] =	vst v8  }
0x25e: {  	[tilespmem:s31+$0xE40] =	vst v8  }
0x25f: {  	[tilespmem:s31+$0xE50] =	vst v8  }
0x260: {  	[tilespmem:s31+$0xE60] =	vst v8  }
0x261: {  	[tilespmem:s31+$0xE70] =	vst v8  }
.Ltmp24:
0x262: {  	[tilespmem:s31+$0x1200] =	vst v8;
	(pc) =	sbr.rel @p3 .LBB2_36-.Ltmp24, $4  }
0x263: {  	[tilespmem:s31+$0x1210] =	vst v8  }
0x264: {  	[tilespmem:s31+$0x1220] =	vst v8  }
0x265: {  	[tilespmem:s31+$0x1230] =	vst v8  }
0x266: {  	s0 =	sadd.s32 $0x80, s0;
	s10 =	sadd.s32 $0x100, s10;
	[tilespmem:s31+$0x1240] =	vst v8  }
.LBB2_37:
0x267: {  	[tilespmem:s31+$0x1250] =	vst v8  }
0x268: {  	[tilespmem:s31+$0x1260] =	vst v8;
	s31 =	simm.s32 $0x9600  }
.LBB2_38:
0x269: {  	s0 =	ssub.s32 $0x80, s30  }
0x26a: {  	s2 =	sand.u32 $0x40, s0  }
0x26b: {  	p3 =	seq.s32 s2, $0x0  }
0x26c: {  	s10 =	sshll.u32 @!p3 s30, $0xA  }
0x26d: {  	s10 =	sshra.s32 @!p3 s10, $0x2  }
0x26e: {  	s13 =	simm.s32 @!p3 $0x0;
	s10 =	sadd.s32 @!p3 $0xE00, s10  }
0x26f: {  	[tilespmem:s10], [sflag:$0x7] =	stream.linear.gather @!p3 [hbm4b:s6+s13], $0x4000, $0x38;
	[tilespmem:$0x18E00] =	vst v63  }
0x270: {  	s10 =	sand.u32 $0x20, s0  }
0x271: {  	s2 =	sadd.s32 s30, s2;
	s13 =	simm.s32 @!p3 $0x7;
	p2 =	seq.s32 s10, $0x0  }
0x272: {  	_ =	swait.ge @!p3 [sflag:s13], $0x4000;
	s14 =	sshll.u32 @!p2 s2, $0xA  }
0x273: {  	[sflag:s13] =	ssyncset.done @!p3 $0x0;
	s14 =	sshra.s32 @!p2 s14, $0x2  }
0x274: {  	[sflag:s13] =	ssyncadd.s32 @!p3 $0xFFFFC000;
	s13 =	sadd.s32 @!p2 $0xE00, s14;
	s14 =	simm.s32 @!p2 $0x0  }
0x275: {  	[tilespmem:s13], [sflag:$0x7] =	stream.linear.gather @!p2 [hbm4b:s6+s14], $0x2000, $0x38;
	[tilespmem:$0x18E00] =	vst v63  }
0x276: {  	s13 =	sand.u32 $0x10, s0  }
0x277: {  	s2 =	sadd.s32 s10, s2;
	s14 =	simm.s32 @!p2 $0x7;
	p3 =	seq.s32 s13, $0x0  }
0x278: {  	_ =	swait.ge @!p2 [sflag:s14], $0x2000;
	s10 =	sshll.u32 @!p3 s2, $0xA  }
0x279: {  	s0 =	sand.u32 $0x8, s0;
	[sflag:s14] =	ssyncset.done @!p2 $0x0;
	s10 =	sshra.s32 @!p3 s10, $0x2  }
0x27a: {  	[sflag:s14] =	ssyncadd.s32 @!p2 $0xFFFFE000;
	s14 =	simm.s32 @!p3 $0x0;
	p2 =	seq.s32 s0, $0x0  }
0x27b: {  	s0 =	simm.s32 @!p3 $0x7;
	s10 =	sadd.s32 @!p3 $0xE00, s10;
	s2 =	sadd.s32 @!p2 s13, s2  }
0x27c: {  	[tilespmem:s10], [sflag:$0x7] =	stream.linear.gather @!p3 [hbm4b:s6+s14], $0x1000, $0x38;
	[tilespmem:$0x18E00] =	vst v63  }
0x27d: {  	s2 =	sshll.u32 @!p2 s2, $0xA;
	_ =	swait.ge @!p3 [sflag:s0], $0x1000  }
0x27e: {  	s2 =	sshra.s32 @!p2 s2, $0x2;
	[sflag:s0] =	ssyncset.done @!p3 $0x0  }
0x27f: {  	[sflag:s0] =	ssyncadd.s32 @!p3 $0xFFFFF000;
	s0 =	sadd.s32 @!p2 $0xE00, s2;
	s2 =	simm.s32 @!p2 $0x0  }
0x280: {  	[tilespmem:s0], [sflag:$0x7] =	stream.linear.gather @!p2 [hbm4b:s6+s2], $0x800, $0x38;
	[tilespmem:$0x18E00] =	vst v63  }
0x281: {  	s0 =	simm.s32 @!p2 $0x7  }
0x282: {  	_ =	swait.ge @!p2 [sflag:s0], $0x800  }
0x283: {  	[sflag:s0] =	ssyncset.done @!p2 $0x0  }
0x284: {  	[sflag:s0] =	ssyncadd.s32 @!p2 $0xFFFFF800  }
.LBB2_39:
0x285: {  	s0 =	sadd.s32 s5, s22  }
0x286: {  	s0 =	sshll.u32 s0, $0x8  }
0x287: {  	s0 =	sadd.s32 s8, s0  }
0x288: {  	s0 =	sshrl.u32 s0, $0x3  }
0x289: {  	s0 =	sadd.s32 s3, s0  }
0x28a: {  	[hbm4b:s0+s4] =	stream.linear.scatter [tilespmem:s12], [sflag:$0x4], $0x8000, $0x38;
	[tilespmem:$0x18E00] =	vst v63  }
.LBB2_40:
0x28b: {  	s30 =	sadd.s32 $0x100, s22  }
0x28c: {  	p2 =	sge.u32 s30, s18  }
.Ltmp25:
0x28d: {  	_ = 	snop;
	(pc) =	sbr.rel @p2 .LBB2_42-.Ltmp25, $1  }
0x28e: {  	_ =	sdelay $0x3  }
0x28f: {  	_ =	swait.ge [sflag:s19], $0x8000  }
0x290: {  	[sflag:s19] =	ssyncset.done $0x0  }
0x291: {  	[sflag:s19] =	ssyncadd.s32 $0xFFFF8000  }
0x292: {  	v9 =	vld [tilespmem:s30+$0x600];
	_ =	sdelay $0x4  }
0x293: {  	v10 =	vshll.u32 v9, $0x1  }
0x294: {  	v9 =	vand.u32 $0x7, v9;
	v10 =	vand.u32 $0xFFFFFFF0, v10  }
0x295: {  	v9 =	vor.u32 v9, v10  }
0x296: {  	v10 =	vperm.xlane v9, v5;
	_ =	sdelay $0x1  }
0x297: {  	v9 =	vperm.xlane v9, v7;
	v10 =	vadd.s32 v6, v10;
	_ =	sdelay $0x1  }
0x298: {  	v9 =	vadd.s32 v6, v9;
	_ =	sdelay $0x2  }
0x299: {  	[tilespmem:s12], [sflag:$0x1] =	stream.indirect_vreg.gather [hbm4b:s1+s4], $0x80, v10, vm0, $0xb8;
	[tilespmem:$0x18E00] =	vst v63  }
0x29a: {  	s0 =	simm.s32 $0x1600  }
0x29b: {  	[tilespmem:s0], [sflag:$0x1] =	stream.indirect_vreg.gather [hbm4b:s1+s4], $0x80, v9, vm0, $0xb8;
	[tilespmem:$0x18E00] =	vst v63  }
0x29c: {  	v9 =	vld [tilespmem:s30+$0x610];
	_ =	sdelay $0x4  }
0x29d: {  	v10 =	vshll.u32 v9, $0x1  }
0x29e: {  	v9 =	vand.u32 $0x7, v9;
	v10 =	vand.u32 $0xFFFFFFF0, v10  }
0x29f: {  	v9 =	vor.u32 v9, v10  }
0x2a0: {  	v10 =	vperm.xlane v9, v5;
	_ =	sdelay $0x1  }
0x2a1: {  	v9 =	vperm.xlane v9, v7;
	v10 =	vadd.s32 v6, v10;
	_ =	sdelay $0x1  }
0x2a2: {  	v9 =	vadd.s32 v6, v9;
	_ =	sdelay $0x1  }
0x2a3: {  	s2 =	simm.s32 $0x1E00  }
0x2a4: {  	[tilespmem:s2], [sflag:$0x1] =	stream.indirect_vreg.gather [hbm4b:s1+s4], $0x80, v10, vm0, $0xb8;
	[tilespmem:$0x18E00] =	vst v63  }
0x2a5: {  	s10 =	simm.s32 $0x2600  }
0x2a6: {  	[tilespmem:s10], [sflag:$0x1] =	stream.indirect_vreg.gather [hbm4b:s1+s4], $0x80, v9, vm0, $0xb8;
	[tilespmem:$0x18E00] =	vst v63  }
0x2a7: {  	v9 =	vld [tilespmem:s30+$0x620];
	_ =	sdelay $0x4  }
0x2a8: {  	v10 =	vshll.u32 v9, $0x1  }
0x2a9: {  	v9 =	vand.u32 $0x7, v9;
	v10 =	vand.u32 $0xFFFFFFF0, v10  }
0x2aa: {  	v9 =	vor.u32 v9, v10  }
0x2ab: {  	v10 =	vperm.xlane v9, v5;
	_ =	sdelay $0x1  }
0x2ac: {  	v9 =	vperm.xlane v9, v7;
	v10 =	vadd.s32 v6, v10;
	_ =	sdelay $0x1  }
0x2ad: {  	v9 =	vadd.s32 v6, v9;
	_ =	sdelay $0x1  }
0x2ae: {  	s13 =	simm.s32 $0x2E00  }
0x2af: {  	[tilespmem:s13], [sflag:$0x1] =	stream.indirect_vreg.gather [hbm4b:s1+s4], $0x80, v10, vm0, $0xb8;
	[tilespmem:$0x18E00] =	vst v63  }
0x2b0: {  	s14 =	simm.s32 $0x3600  }
0x2b1: {  	[tilespmem:s14], [sflag:$0x1] =	stream.indirect_vreg.gather [hbm4b:s1+s4], $0x80, v9, vm0, $0xb8;
	[tilespmem:$0x18E00] =	vst v63  }
0x2b2: {  	v9 =	vld [tilespmem:s30+$0x630];
	_ =	sdelay $0x4  }
0x2b3: {  	v10 =	vshll.u32 v9, $0x1  }
0x2b4: {  	v9 =	vand.u32 $0x7, v9;
	v10 =	vand.u32 $0xFFFFFFF0, v10  }
0x2b5: {  	v9 =	vor.u32 v9, v10  }
0x2b6: {  	v10 =	vperm.xlane v9, v5;
	_ =	sdelay $0x1  }
0x2b7: {  	v9 =	vperm.xlane v9, v7;
	v10 =	vadd.s32 v6, v10;
	_ =	sdelay $0x1  }
0x2b8: {  	v9 =	vadd.s32 v6, v9;
	_ =	sdelay $0x1  }
0x2b9: {  	s2 =	simm.s32 $0x3E00  }
0x2ba: {  	[tilespmem:s2], [sflag:$0x1] =	stream.indirect_vreg.gather [hbm4b:s1+s4], $0x80, v10, vm0, $0xb8;
	[tilespmem:$0x18E00] =	vst v63  }
0x2bb: {  	s10 =	simm.s32 $0x4600  }
0x2bc: {  	[tilespmem:s10], [sflag:$0x1] =	stream.indirect_vreg.gather [hbm4b:s1+s4], $0x80, v9, vm0, $0xb8;
	[tilespmem:$0x18E00] =	vst v63  }
0x2bd: {  	v9 =	vld [tilespmem:s30+$0x640];
	_ =	sdelay $0x4  }
0x2be: {  	v10 =	vshll.u32 v9, $0x1  }
0x2bf: {  	v9 =	vand.u32 $0x7, v9;
	v10 =	vand.u32 $0xFFFFFFF0, v10  }
0x2c0: {  	v9 =	vor.u32 v9, v10  }
0x2c1: {  	v10 =	vperm.xlane v9, v5;
	_ =	sdelay $0x1  }
0x2c2: {  	v9 =	vperm.xlane v9, v7;
	v10 =	vadd.s32 v6, v10;
	_ =	sdelay $0x1  }
0x2c3: {  	v9 =	vadd.s32 v6, v9;
	_ =	sdelay $0x1  }
0x2c4: {  	s13 =	simm.s32 $0x4E00  }
0x2c5: {  	[tilespmem:s13], [sflag:$0x1] =	stream.indirect_vreg.gather [hbm4b:s1+s4], $0x80, v10, vm0, $0xb8;
	[tilespmem:$0x18E00] =	vst v63  }
0x2c6: {  	s14 =	simm.s32 $0x5600  }
0x2c7: {  	[tilespmem:s14], [sflag:$0x1] =	stream.indirect_vreg.gather [hbm4b:s1+s4], $0x80, v9, vm0, $0xb8;
	[tilespmem:$0x18E00] =	vst v63  }
0x2c8: {  	v9 =	vld [tilespmem:s30+$0x650];
	_ =	sdelay $0x4  }
0x2c9: {  	v10 =	vshll.u32 v9, $0x1  }
0x2ca: {  	v9 =	vand.u32 $0x7, v9;
	v10 =	vand.u32 $0xFFFFFFF0, v10  }
0x2cb: {  	v9 =	vor.u32 v9, v10  }
0x2cc: {  	v10 =	vperm.xlane v9, v5;
	_ =	sdelay $0x1  }
0x2cd: {  	v9 =	vperm.xlane v9, v7;
	v10 =	vadd.s32 v6, v10;
	_ =	sdelay $0x1  }
0x2ce: {  	v9 =	vadd.s32 v6, v9;
	_ =	sdelay $0x1  }
0x2cf: {  	s2 =	simm.s32 $0x5E00  }
0x2d0: {  	[tilespmem:s2], [sflag:$0x1] =	stream.indirect_vreg.gather [hbm4b:s1+s4], $0x80, v10, vm0, $0xb8;
	[tilespmem:$0x18E00] =	vst v63  }
0x2d1: {  	s10 =	simm.s32 $0x6600  }
0x2d2: {  	[tilespmem:s10], [sflag:$0x1] =	stream.indirect_vreg.gather [hbm4b:s1+s4], $0x80, v9, vm0, $0xb8;
	[tilespmem:$0x18E00] =	vst v63  }
0x2d3: {  	v9 =	vld [tilespmem:s30+$0x660];
	_ =	sdelay $0x4  }
0x2d4: {  	v10 =	vshll.u32 v9, $0x1  }
0x2d5: {  	v9 =	vand.u32 $0x7, v9;
	v10 =	vand.u32 $0xFFFFFFF0, v10  }
0x2d6: {  	v9 =	vor.u32 v9, v10  }
0x2d7: {  	v10 =	vperm.xlane v9, v5;
	_ =	sdelay $0x1  }
0x2d8: {  	v9 =	vperm.xlane v9, v7;
	v10 =	vadd.s32 v6, v10;
	_ =	sdelay $0x1  }
0x2d9: {  	v9 =	vadd.s32 v6, v9;
	_ =	sdelay $0x1  }
0x2da: {  	s13 =	simm.s32 $0x6E00  }
0x2db: {  	[tilespmem:s13], [sflag:$0x1] =	stream.indirect_vreg.gather [hbm4b:s1+s4], $0x80, v10, vm0, $0xb8;
	[tilespmem:$0x18E00] =	vst v63  }
0x2dc: {  	s14 =	simm.s32 $0x7600  }
0x2dd: {  	[tilespmem:s14], [sflag:$0x1] =	stream.indirect_vreg.gather [hbm4b:s1+s4], $0x80, v9, vm0, $0xb8;
	[tilespmem:$0x18E00] =	vst v63  }
0x2de: {  	v9 =	vld [tilespmem:s30+$0x670];
	_ =	sdelay $0x4  }
0x2df: {  	v10 =	vshll.u32 v9, $0x1  }
0x2e0: {  	v9 =	vand.u32 $0x7, v9;
	v10 =	vand.u32 $0xFFFFFFF0, v10  }
0x2e1: {  	v9 =	vor.u32 v9, v10  }
0x2e2: {  	v10 =	vperm.xlane v9, v5;
	_ =	sdelay $0x1  }
0x2e3: {  	v9 =	vperm.xlane v9, v7;
	v10 =	vadd.s32 v6, v10;
	_ =	sdelay $0x1  }
0x2e4: {  	v9 =	vadd.s32 v6, v9;
	_ =	sdelay $0x2  }
0x2e5: {  	[tilespmem:s15], [sflag:$0x1] =	stream.indirect_vreg.gather [hbm4b:s1+s4], $0x80, v10, vm0, $0xb8;
	[tilespmem:$0x18E00] =	vst v63  }
0x2e6: {  	_ = 	snop  }
0x2e7: {  	[tilespmem:s16], [sflag:$0x1] =	stream.indirect_vreg.gather [hbm4b:s1+s4], $0x80, v9, vm0, $0xb8;
	[tilespmem:$0x18E00] =	vst v63  }
.LBB2_42:
0x2e8: {  	p2 =	sle.u32 s18, s29  }
.Ltmp26:
0x2e9: {  	_ = 	snop;
	(pc) =	sbr.rel @p2 .LBB2_50-.Ltmp26, $1  }
0x2ea: {  	_ =	sdelay $0x3  }
0x2eb: {  	p2 =	sge.u32 s18, s30  }
.Ltmp27:
0x2ec: {  	_ = 	snop;
	(pc) =	sbr.rel @p2 .LBB2_49-.Ltmp27, $4  }
0x2ed: {  	_ = 	snop  }
0x2ee: {  	_ =	swait.ge [sflag:s17], $0x8000  }
0x2ef: {  	[sflag:s17] =	ssyncset.done $0x0  }
0x2f0: {  	[sflag:s17] =	ssyncadd.s32 $0xFFFF8000  }
0x2f1: {  	s0 =	ssub.s32 s18, s29  }
0x2f2: {  	s2 =	sadd.s32 $0x7, s0  }
0x2f3: {  	s30 =	sand.u32 $0xFFFFFFF8, s2  }
0x2f4: {  	p2 =	slt.s32 s30, $0x80  }
0x2f5: {  	s30 =	simm.s32 @!p2 $0x80  }
0x2f6: {  	p2 =	sge.s32 s0, s30  }
.Ltmp28:
0x2f7: {  	_ = 	snop;
	(pc) =	sbr.rel @p2 .LBB2_48-.Ltmp28, $1  }
0x2f8: {  	_ =	sdelay $0x3  }
0x2f9: {  	s2 =	sand.u32 $0xFFFFF800, s21;
	s10 =	sand.u32 $0x380, s20  }
0x2fa: {  	s31 =	sor.u32 s10, s2  }
0x2fb: {  	[tilespmem:s31+$0x9270] =	vst v8  }
0x2fc: {  	[tilespmem:s31+$0x8E00] =	vst v8  }
0x2fd: {  	[tilespmem:s31+$0x8E10] =	vst v8  }
0x2fe: {  	[tilespmem:s31+$0x8E20] =	vst v8  }
0x2ff: {  	[tilespmem:s31+$0x8E30] =	vst v8  }
0x300: {  	[tilespmem:s31+$0x8E40] =	vst v8  }
0x301: {  	[tilespmem:s31+$0x8E50] =	vst v8  }
0x302: {  	s2 =	sadd.s32 $0x1, s0;
	[tilespmem:s31+$0x8E60] =	vst v8  }
0x303: {  	[tilespmem:s31+$0x8E70] =	vst v8;
	p2 =	slt.s32 s2, s30  }
.Ltmp29:
0x304: {  	[tilespmem:s31+$0x9200] =	vst v8;
	(pc) =	sbr.rel @!p2 .LBB2_47-.Ltmp29, $4  }
0x305: {  	[tilespmem:s31+$0x9210] =	vst v8  }
0x306: {  	[tilespmem:s31+$0x9220] =	vst v8  }
0x307: {  	[tilespmem:s31+$0x9230] =	vst v8  }
0x308: {  	s0 =	sadd.s32 $0x80, s20;
	s10 =	sadd.s32 $0x100, s21;
	[tilespmem:s31+$0x9240] =	vst v8  }
.LBB2_46:
0x309: {  	s13 =	sand.u32 $0xFFFFF800, s10;
	s14 =	sand.u32 $0x380, s0;
	s2 =	sadd.s32 $0x1, s2;
	[tilespmem:s31+$0x9250] =	vst v8  }
0x30a: {  	p3 =	slt.s32 s2, s30;
	[tilespmem:s31+$0x9260] =	vst v8;
	s31 =	sor.u32 s14, s13  }
0x30b: {  	[tilespmem:s31+$0x9270] =	vst v8  }
0x30c: {  	[tilespmem:s31+$0x8E00] =	vst v8  }
0x30d: {  	[tilespmem:s31+$0x8E10] =	vst v8  }
0x30e: {  	[tilespmem:s31+$0x8E20] =	vst v8  }
0x30f: {  	[tilespmem:s31+$0x8E30] =	vst v8  }
0x310: {  	[tilespmem:s31+$0x8E40] =	vst v8  }
0x311: {  	[tilespmem:s31+$0x8E50] =	vst v8  }
0x312: {  	[tilespmem:s31+$0x8E60] =	vst v8  }
0x313: {  	[tilespmem:s31+$0x8E70] =	vst v8  }
.Ltmp30:
0x314: {  	[tilespmem:s31+$0x9200] =	vst v8;
	(pc) =	sbr.rel @p3 .LBB2_46-.Ltmp30, $4  }
0x315: {  	[tilespmem:s31+$0x9210] =	vst v8  }
0x316: {  	[tilespmem:s31+$0x9220] =	vst v8  }
0x317: {  	[tilespmem:s31+$0x9230] =	vst v8  }
0x318: {  	s0 =	sadd.s32 $0x80, s0;
	s10 =	sadd.s32 $0x100, s10;
	[tilespmem:s31+$0x9240] =	vst v8  }
.LBB2_47:
0x319: {  	[tilespmem:s31+$0x9250] =	vst v8  }
0x31a: {  	[tilespmem:s31+$0x9260] =	vst v8;
	s31 =	simm.s32 $0x9600  }
.LBB2_48:
0x31b: {  	s0 =	ssub.s32 $0x80, s30  }
0x31c: {  	s2 =	sand.u32 $0x40, s0  }
0x31d: {  	p3 =	seq.s32 s2, $0x0  }
0x31e: {  	s10 =	sshll.u32 @!p3 s30, $0xA  }
0x31f: {  	s10 =	sshra.s32 @!p3 s10, $0x2  }
0x320: {  	s13 =	simm.s32 @!p3 $0x0;
	s10 =	sadd.s32 @!p3 $0x8E00, s10  }
0x321: {  	[tilespmem:s10], [sflag:$0x7] =	stream.linear.gather @!p3 [hbm4b:s6+s13], $0x4000, $0x38;
	[tilespmem:$0x18E00] =	vst v63  }
0x322: {  	s10 =	sand.u32 $0x20, s0  }
0x323: {  	s2 =	sadd.s32 s30, s2;
	s13 =	simm.s32 @!p3 $0x7;
	p2 =	seq.s32 s10, $0x0  }
0x324: {  	_ =	swait.ge @!p3 [sflag:s13], $0x4000;
	s14 =	sshll.u32 @!p2 s2, $0xA  }
0x325: {  	[sflag:s13] =	ssyncset.done @!p3 $0x0;
	s14 =	sshra.s32 @!p2 s14, $0x2  }
0x326: {  	[sflag:s13] =	ssyncadd.s32 @!p3 $0xFFFFC000;
	s13 =	sadd.s32 @!p2 $0x8E00, s14;
	s14 =	simm.s32 @!p2 $0x0  }
0x327: {  	[tilespmem:s13], [sflag:$0x7] =	stream.linear.gather @!p2 [hbm4b:s6+s14], $0x2000, $0x38;
	[tilespmem:$0x18E00] =	vst v63  }
0x328: {  	s13 =	sand.u32 $0x10, s0  }
0x329: {  	s2 =	sadd.s32 s10, s2;
	s14 =	simm.s32 @!p2 $0x7;
	p3 =	seq.s32 s13, $0x0  }
0x32a: {  	_ =	swait.ge @!p2 [sflag:s14], $0x2000;
	s10 =	sshll.u32 @!p3 s2, $0xA  }
0x32b: {  	s0 =	sand.u32 $0x8, s0;
	[sflag:s14] =	ssyncset.done @!p2 $0x0;
	s10 =	sshra.s32 @!p3 s10, $0x2  }
0x32c: {  	[sflag:s14] =	ssyncadd.s32 @!p2 $0xFFFFE000;
	s14 =	simm.s32 @!p3 $0x0;
	p2 =	seq.s32 s0, $0x0  }
0x32d: {  	s0 =	simm.s32 @!p3 $0x7;
	s10 =	sadd.s32 @!p3 $0x8E00, s10;
	s2 =	sadd.s32 @!p2 s13, s2  }
0x32e: {  	[tilespmem:s10], [sflag:$0x7] =	stream.linear.gather @!p3 [hbm4b:s6+s14], $0x1000, $0x38;
	[tilespmem:$0x18E00] =	vst v63  }
0x32f: {  	s2 =	sshll.u32 @!p2 s2, $0xA;
	_ =	swait.ge @!p3 [sflag:s0], $0x1000  }
0x330: {  	s2 =	sshra.s32 @!p2 s2, $0x2;
	[sflag:s0] =	ssyncset.done @!p3 $0x0  }
0x331: {  	[sflag:s0] =	ssyncadd.s32 @!p3 $0xFFFFF000;
	s0 =	sadd.s32 @!p2 $0x8E00, s2;
	s2 =	simm.s32 @!p2 $0x0  }
0x332: {  	[tilespmem:s0], [sflag:$0x7] =	stream.linear.gather @!p2 [hbm4b:s6+s2], $0x800, $0x38;
	[tilespmem:$0x18E00] =	vst v63  }
0x333: {  	s0 =	simm.s32 @!p2 $0x7  }
0x334: {  	_ =	swait.ge @!p2 [sflag:s0], $0x800  }
0x335: {  	[sflag:s0] =	ssyncset.done @!p2 $0x0  }
0x336: {  	[sflag:s0] =	ssyncadd.s32 @!p2 $0xFFFFF800  }
.LBB2_49:
0x337: {  	s0 =	sadd.s32 s5, s29  }
0x338: {  	s0 =	sshll.u32 s0, $0x8  }
0x339: {  	s0 =	sadd.s32 s8, s0  }
0x33a: {  	s0 =	sshrl.u32 s0, $0x3  }
0x33b: {  	s0 =	sadd.s32 s3, s0  }
0x33c: {  	[hbm4b:s0+s4] =	stream.linear.scatter [tilespmem:s28], [sflag:$0x5], $0x8000, $0x38;
	[tilespmem:$0x18E00] =	vst v63  }
.LBB2_50:
0x33d: {  	s22 =	sadd.s32 $0x180, s22  }
0x33e: {  	p2 =	sge.u32 s22, s18  }
.Ltmp31:
0x33f: {  	_ = 	snop;
	(pc) =	sbr.rel @p2 .LBB2_52-.Ltmp31, $1  }
0x340: {  	_ =	sdelay $0x3  }
0x341: {  	_ =	swait.ge [sflag:s23], $0x8000  }
0x342: {  	[sflag:s23] =	ssyncset.done $0x0  }
0x343: {  	[sflag:s23] =	ssyncadd.s32 $0xFFFF8000  }
0x344: {  	v9 =	vld [tilespmem:s22+$0x600];
	_ =	sdelay $0x4  }
0x345: {  	v10 =	vshll.u32 v9, $0x1  }
0x346: {  	v9 =	vand.u32 $0x7, v9;
	v10 =	vand.u32 $0xFFFFFFF0, v10  }
0x347: {  	v9 =	vor.u32 v9, v10  }
0x348: {  	v10 =	vperm.xlane v9, v5;
	_ =	sdelay $0x1  }
0x349: {  	v9 =	vperm.xlane v9, v7;
	v10 =	vadd.s32 v6, v10;
	_ =	sdelay $0x1  }
0x34a: {  	v9 =	vadd.s32 v6, v9;
	_ =	sdelay $0x2  }
0x34b: {  	[tilespmem:s28], [sflag:$0x2] =	stream.indirect_vreg.gather [hbm4b:s1+s4], $0x80, v10, vm0, $0xb8;
	[tilespmem:$0x18E00] =	vst v63  }
0x34c: {  	_ = 	snop  }
0x34d: {  	[tilespmem:s31], [sflag:$0x2] =	stream.indirect_vreg.gather [hbm4b:s1+s4], $0x80, v9, vm0, $0xb8;
	[tilespmem:$0x18E00] =	vst v63  }
0x34e: {  	v9 =	vld [tilespmem:s22+$0x610];
	_ =	sdelay $0x4  }
0x34f: {  	v10 =	vshll.u32 v9, $0x1  }
0x350: {  	v9 =	vand.u32 $0x7, v9;
	v10 =	vand.u32 $0xFFFFFFF0, v10  }
0x351: {  	v9 =	vor.u32 v9, v10  }
0x352: {  	v10 =	vperm.xlane v9, v5;
	_ =	sdelay $0x1  }
0x353: {  	v9 =	vperm.xlane v9, v7;
	v10 =	vadd.s32 v6, v10;
	_ =	sdelay $0x1  }
0x354: {  	v9 =	vadd.s32 v6, v9;
	_ =	sdelay $0x1  }
0x355: {  	s0 =	simm.s32 $0x9E00  }
0x356: {  	[tilespmem:s0], [sflag:$0x2] =	stream.indirect_vreg.gather [hbm4b:s1+s4], $0x80, v10, vm0, $0xb8;
	[tilespmem:$0x18E00] =	vst v63  }
0x357: {  	s30 =	simm.s32 $0xA600  }
0x358: {  	[tilespmem:s30], [sflag:$0x2] =	stream.indirect_vreg.gather [hbm4b:s1+s4], $0x80, v9, vm0, $0xb8;
	[tilespmem:$0x18E00] =	vst v63  }
0x359: {  	v9 =	vld [tilespmem:s22+$0x620];
	_ =	sdelay $0x4  }
0x35a: {  	v10 =	vshll.u32 v9, $0x1  }
0x35b: {  	v9 =	vand.u32 $0x7, v9;
	v10 =	vand.u32 $0xFFFFFFF0, v10  }
0x35c: {  	v9 =	vor.u32 v9, v10  }
0x35d: {  	v10 =	vperm.xlane v9, v5;
	_ =	sdelay $0x1  }
0x35e: {  	v9 =	vperm.xlane v9, v7;
	v10 =	vadd.s32 v6, v10;
	_ =	sdelay $0x1  }
0x35f: {  	v9 =	vadd.s32 v6, v9;
	_ =	sdelay $0x1  }
0x360: {  	s2 =	simm.s32 $0xAE00  }
0x361: {  	[tilespmem:s2], [sflag:$0x2] =	stream.indirect_vreg.gather [hbm4b:s1+s4], $0x80, v10, vm0, $0xb8;
	[tilespmem:$0x18E00] =	vst v63  }
0x362: {  	s10 =	simm.s32 $0xB600  }
0x363: {  	[tilespmem:s10], [sflag:$0x2] =	stream.indirect_vreg.gather [hbm4b:s1+s4], $0x80, v9, vm0, $0xb8;
	[tilespmem:$0x18E00] =	vst v63  }
0x364: {  	v9 =	vld [tilespmem:s22+$0x630];
	_ =	sdelay $0x4  }
0x365: {  	v10 =	vshll.u32 v9, $0x1  }
0x366: {  	v9 =	vand.u32 $0x7, v9;
	v10 =	vand.u32 $0xFFFFFFF0, v10  }
0x367: {  	v9 =	vor.u32 v9, v10  }
0x368: {  	v10 =	vperm.xlane v9, v5;
	_ =	sdelay $0x1  }
0x369: {  	v9 =	vperm.xlane v9, v7;
	v10 =	vadd.s32 v6, v10;
	_ =	sdelay $0x1  }
0x36a: {  	v9 =	vadd.s32 v6, v9;
	_ =	sdelay $0x1  }
0x36b: {  	s13 =	simm.s32 $0xBE00  }
0x36c: {  	[tilespmem:s13], [sflag:$0x2] =	stream.indirect_vreg.gather [hbm4b:s1+s4], $0x80, v10, vm0, $0xb8;
	[tilespmem:$0x18E00] =	vst v63  }
0x36d: {  	s14 =	simm.s32 $0xC600  }
0x36e: {  	[tilespmem:s14], [sflag:$0x2] =	stream.indirect_vreg.gather [hbm4b:s1+s4], $0x80, v9, vm0, $0xb8;
	[tilespmem:$0x18E00] =	vst v63  }
0x36f: {  	v9 =	vld [tilespmem:s22+$0x640];
	_ =	sdelay $0x4  }
0x370: {  	v10 =	vshll.u32 v9, $0x1  }
0x371: {  	v9 =	vand.u32 $0x7, v9;
	v10 =	vand.u32 $0xFFFFFFF0, v10  }
0x372: {  	v9 =	vor.u32 v9, v10  }
0x373: {  	v10 =	vperm.xlane v9, v5;
	_ =	sdelay $0x1  }
0x374: {  	v9 =	vperm.xlane v9, v7;
	v10 =	vadd.s32 v6, v10;
	_ =	sdelay $0x1  }
0x375: {  	v9 =	vadd.s32 v6, v9;
	_ =	sdelay $0x1  }
0x376: {  	s29 =	simm.s32 $0xCE00  }
0x377: {  	[tilespmem:s29], [sflag:$0x2] =	stream.indirect_vreg.gather [hbm4b:s1+s4], $0x80, v10, vm0, $0xb8;
	[tilespmem:$0x18E00] =	vst v63  }
0x378: {  	s30 =	simm.s32 $0xD600  }
0x379: {  	[tilespmem:s30], [sflag:$0x2] =	stream.indirect_vreg.gather [hbm4b:s1+s4], $0x80, v9, vm0, $0xb8;
	[tilespmem:$0x18E00] =	vst v63  }
0x37a: {  	v9 =	vld [tilespmem:s22+$0x650];
	_ =	sdelay $0x4  }
0x37b: {  	v10 =	vshll.u32 v9, $0x1  }
0x37c: {  	v9 =	vand.u32 $0x7, v9;
	v10 =	vand.u32 $0xFFFFFFF0, v10  }
0x37d: {  	v9 =	vor.u32 v9, v10  }
0x37e: {  	v10 =	vperm.xlane v9, v5;
	_ =	sdelay $0x1  }
0x37f: {  	v9 =	vperm.xlane v9, v7;
	v10 =	vadd.s32 v6, v10;
	_ =	sdelay $0x1  }
0x380: {  	v9 =	vadd.s32 v6, v9;
	_ =	sdelay $0x1  }
0x381: {  	s2 =	simm.s32 $0xDE00  }
0x382: {  	[tilespmem:s2], [sflag:$0x2] =	stream.indirect_vreg.gather [hbm4b:s1+s4], $0x80, v10, vm0, $0xb8;
	[tilespmem:$0x18E00] =	vst v63  }
0x383: {  	s10 =	simm.s32 $0xE600  }
0x384: {  	[tilespmem:s10], [sflag:$0x2] =	stream.indirect_vreg.gather [hbm4b:s1+s4], $0x80, v9, vm0, $0xb8;
	[tilespmem:$0x18E00] =	vst v63  }
0x385: {  	v9 =	vld [tilespmem:s22+$0x660];
	_ =	sdelay $0x4  }
0x386: {  	v10 =	vshll.u32 v9, $0x1  }
0x387: {  	v9 =	vand.u32 $0x7, v9;
	v10 =	vand.u32 $0xFFFFFFF0, v10  }
0x388: {  	v9 =	vor.u32 v9, v10  }
0x389: {  	v10 =	vperm.xlane v9, v5;
	_ =	sdelay $0x1  }
0x38a: {  	v9 =	vperm.xlane v9, v7;
	v10 =	vadd.s32 v6, v10;
	_ =	sdelay $0x1  }
0x38b: {  	v9 =	vadd.s32 v6, v9;
	_ =	sdelay $0x1  }
0x38c: {  	s13 =	simm.s32 $0xEE00  }
0x38d: {  	[tilespmem:s13], [sflag:$0x2] =	stream.indirect_vreg.gather [hbm4b:s1+s4], $0x80, v10, vm0, $0xb8;
	[tilespmem:$0x18E00] =	vst v63  }
0x38e: {  	s14 =	simm.s32 $0xF600  }
0x38f: {  	[tilespmem:s14], [sflag:$0x2] =	stream.indirect_vreg.gather [hbm4b:s1+s4], $0x80, v9, vm0, $0xb8;
	[tilespmem:$0x18E00] =	vst v63  }
0x390: {  	v9 =	vld [tilespmem:s22+$0x670];
	_ =	sdelay $0x4  }
0x391: {  	v10 =	vshll.u32 v9, $0x1  }
0x392: {  	v9 =	vand.u32 $0x7, v9;
	v10 =	vand.u32 $0xFFFFFFF0, v10  }
0x393: {  	v9 =	vor.u32 v9, v10  }
0x394: {  	v10 =	vperm.xlane v9, v5;
	_ =	sdelay $0x1  }
0x395: {  	v9 =	vperm.xlane v9, v7;
	v10 =	vadd.s32 v6, v10;
	_ =	sdelay $0x1  }
0x396: {  	v9 =	vadd.s32 v6, v9  }
.Ltmp32:
0x397: {  	_ = 	snop;
	(pc) =	sbr.rel .LBB2_52-.Ltmp32, $4  }
0x398: {  	s29 =	simm.s32 $0xFE00  }
0x399: {  	[tilespmem:s29], [sflag:$0x2] =	stream.indirect_vreg.gather [hbm4b:s1+s4], $0x80, v10, vm0, $0xb8;
	[tilespmem:$0x18E00] =	vst v63  }
0x39a: {  	s30 =	simm.s32 $0x10600  }
0x39b: {  	[tilespmem:s30], [sflag:$0x2] =	stream.indirect_vreg.gather [hbm4b:s1+s4], $0x80, v9, vm0, $0xb8;
	[tilespmem:$0x18E00] =	vst v63  }
.LBB2_53:
0x39c: {  	s0 =	sadd.s32 $0xFFFFFFFF, s24  }
0x39d: {  	p2 =	sgt.u32 s0, $0xFF  }
.Ltmp33:
0x39e: {  	_ = 	snop;
	(pc) =	sbr.rel @p2 .LBB2_56-.Ltmp33, $1  }
0x39f: {  	_ =	sdelay $0x3  }
.Ltmp34:
0x3a0: {  	(pc) =	sbr.rel .LBB2_55-.Ltmp34, $4  }
0x3a1: {  	_ =	swait.ge [sflag:s19], $0x8000  }
0x3a2: {  	s13 =	simm.s32 $0x10E00;
	s14 =	simm.s32 $0x80;
	s9 =	rddreg [dreg:$0x12]  }
0x3a3: {  	s22 =	simm.s32 $0x400;
	[sflag:s19] =	ssyncset.done $0x0;
	s10 =	rddreg [dreg:$0x13]  }
0x3a4: {  	s25 =	simm.s32 $0x7;
	s11 =	rddreg [dreg:$0x14];
	[sflag:s19] =	ssyncadd.s32 $0xFFFF8000  }
.LBB2_56:
0x3a5: {  	s0 =	sld [smem:$0x7FD];
	_ =	sdelay $0x2  }
0x3a6: {  	p2 =	seq.s32 s0, $0x1  }
.Ltmp35:
0x3a7: {  	_ = 	snop;
	(pc) =	sbr.rel @p2 .LBB2_57-.Ltmp35, $4  }
0x3a8: {  	_ = 	snop  }
0x3a9: {  	s9 =	rddreg [dreg:$0x12]  }
0x3aa: {  	s13 =	simm.s32 $0x10E00;
	s14 =	simm.s32 $0x80;
	s10 =	rddreg [dreg:$0x13]  }
0x3ab: {  	s22 =	simm.s32 $0x400;
	s25 =	simm.s32 $0x7;
	s11 =	rddreg [dreg:$0x14]  }
.LBB2_55:
0x3ac: {  	s0 =	sadd.s32 $0xFFFFFF7F, s24  }
0x3ad: {  	p2 =	sgt.u32 s0, $0xFF  }
.Ltmp36:
0x3ae: {  	_ = 	snop;
	(pc) =	sbr.rel @p2 .LBB2_59-.Ltmp36, $4  }
.Ltmp37:
0x3af: {  	_ = 	snop;
	(pc) =	sbr.rel @!p2 .LBB2_58-.Ltmp37, $4  }
0x3b0: {  	_ = 	snop  }
0x3b1: {  	_ = 	snop  }
0x3b2: {  	s0 =	simm.s32 $0x5  }
0x3b3: {  	_ = 	snop  }
.LBB2_60:
0x3b4: {  	_ =	sfence.sel $0x180000  }
0x3b5: {  	[bflag:$0x0] =	sbarrier.arrive $0xFFFF  }
0x3b6: {  	_ =	strace $0x90000047  }
0x3b7: {  	s0 =	stileid.u32;
	[bflag:$0x2] =	sbarrier.arrive $0xFFFF  }
0x3b8: {  	p0 =	sne.s32 s0, $0x0;
	s0 =	rddreg [dreg:$0x4]  }
0x3b9: {  	s0 =	sadd.s32 @!p0 $0x100000, s0  }
0x3ba: {  	[sflag:s0] =	ssyncadd.tile.s32 @!p0 $0x1;
	_ =	shalt  }
.Lfunc_end2:
_tile_overlayer_lowered:
.L_overlay_start_2:
0x3bb: {  	(tag) =	ssettag $0x2  }
0x3bc: {  	s0 =	rddreg [dreg:$0x0];
	s2 =	stileid.u32  }
0x3bd: {  	s1 =	rddreg [dreg:$0x1];
	p0 =	sne.s32 s2, $0x0  }
0x3be: {  	s3 =	rddreg [dreg:$0x2];
	[bflag:$0x3] =	sbarrier.arrive $0xFFFF;
	s2 =	simm.s32 @!p0 $0x1C07  }
0x3bf: {  	[timem:s3], [sflag:s2] =	dma.local @!p0 [hbm:s0], s1  }
0x3c0: {  	s0 =	simm.s32 @!p0 $0x7  }
0x3c1: {  	_ =	swait.ge @!p0 [sflag:s0], s1  }
0x3c2: {  	s1 =	ssub.s32 @!p0 $0x0, s1;
	[sflag:s0] =	ssyncset.done @!p0 $0x0  }
0x3c3: {  	[sflag:s0] =	ssyncadd.s32 @!p0 s1  }
0x3c4: {  	[bflag:$0x3] =	sbarrier.arrive $0xFFFF  }
0x3c5: {  	_ =	shalt  }

</sc_bundles>
